<compile_context>
chip_gen: v7x
topology: tpu7x:2x2x1
jax: 0.10.2.dev20260603
libtpu: 0.0.44.dev20260713+nightly
codegen_flags: <defaults>
</compile_context>

<pallas_src>
import math

import jax
import jax.numpy as jnp
from jax import lax
from jax.experimental import pallas as pl
from jax.experimental.pallas import tpu as pltpu
from jax.experimental.pallas import tpu_sc as plsc

D = 128
H = 4
DH = D // H
N = 10000
E = 320000
NC = 2
NS = 16
NW = NC * NS
C = 128
EPT_A = E // NW
NCH_A = EPT_A // C
TAIL_A = EPT_A - NCH_A * C
EPT_B = E // NS
NCH_B = EPT_B // C
TAIL_B = EPT_B - NCH_B * C
RB = 624
RTAIL = N - RB * NS
L = 16

_f32 = jnp.float32
_i32 = jnp.int32



def _qkv_body(x_ref, wq_ref, bq_ref, wk_ref, bk_ref, wv_ref, bv_ref,
              q_ref, k_ref, v_ref):
    x = x_ref[...]
    q_ref[...] = jnp.dot(x, wq_ref[...], preferred_element_type=_f32) + bq_ref[...]
    k = jnp.dot(x, wk_ref[...], preferred_element_type=_f32) + bk_ref[...]
    k_ref[...] = k * (1.0 / math.sqrt(DH))
    v_ref[...] = jnp.dot(x, wv_ref[...], preferred_element_type=_f32) + bv_ref[...]


def _qkv(x, wq, bq, wk, bk, wv, bv):
    blk = 1000
    row_spec = pl.BlockSpec((blk, D), lambda i: (i, 0))
    full_w = pl.BlockSpec((D, D), lambda i: (0, 0))
    full_b = pl.BlockSpec((1, D), lambda i: (0, 0))
    return pl.pallas_call(
        _qkv_body,
        grid=(N // blk,),
        in_specs=[row_spec, full_w, full_b, full_w, full_b, full_w, full_b],
        out_specs=[row_spec, row_spec, row_spec],
        out_shape=[jax.ShapeDtypeStruct((N, D), _f32)] * 3,
    )(x, wq, bq.reshape(1, D), wk, bk.reshape(1, D), wv, bv.reshape(1, D))



def _sc_gather_body(q_hbm, k_hbm, v_hbm, tgt_hbm, src_hbm,
                    qg_hbm, kg_hbm, vg_hbm,
                    qb0, kb0, vb0, tb0, sb0,
                    qb1, kb1, vb1, tb1, sb1,
                    qbt, kbt, vbt, tgtbt, srcbt,
                    s0, s1, s2, s3, s4, s5):
    cid = lax.axis_index("c")
    sid = lax.axis_index("s")
    wid = sid * NC + cid
    tile_base = wid * EPT_A

    def _writeout(base, n, qb, kb, vb):
        pltpu.sync_copy(qb, qg_hbm.at[pl.ds(base, n)])
        pltpu.sync_copy(kb, kg_hbm.at[pl.ds(base, n)])
        pltpu.sync_copy(vb, vg_hbm.at[pl.ds(base, n)])

    def _pair(ci, carry):
        base_a = tile_base + (2 * ci) * C
        base_b = base_a + C
        ta = pltpu.async_copy(tgt_hbm.at[pl.ds(base_a, C)], tb0, s0)
        sa = pltpu.async_copy(src_hbm.at[pl.ds(base_a, C)], sb0, s1)
        tb_ = pltpu.async_copy(tgt_hbm.at[pl.ds(base_b, C)], tb1, s3)
        sb_ = pltpu.async_copy(src_hbm.at[pl.ds(base_b, C)], sb1, s4)
        ta.wait()
        sa.wait()
        gqa = pltpu.async_copy(q_hbm.at[tb0], qb0, s0)
        gka = pltpu.async_copy(k_hbm.at[sb0], kb0, s1)
        gva = pltpu.async_copy(v_hbm.at[sb0], vb0, s2)
        tb_.wait()
        sb_.wait()
        gqb = pltpu.async_copy(q_hbm.at[tb1], qb1, s3)
        gkb = pltpu.async_copy(k_hbm.at[sb1], kb1, s4)
        gvb = pltpu.async_copy(v_hbm.at[sb1], vb1, s5)
        gqa.wait()
        gka.wait()
        gva.wait()
        _writeout(base_a, C, qb0, kb0, vb0)
        gqb.wait()
        gkb.wait()
        gvb.wait()
        _writeout(base_b, C, qb1, kb1, vb1)
        return carry

    lax.fori_loop(0, NCH_A // 2, _pair, 0)

    base_t = tile_base + NCH_A * C
    ct = pltpu.async_copy(tgt_hbm.at[pl.ds(base_t, TAIL_A)], tgtbt, s0)
    cs = pltpu.async_copy(src_hbm.at[pl.ds(base_t, TAIL_A)], srcbt, s1)
    ct.wait()
    cs.wait()
    gq = pltpu.async_copy(q_hbm.at[tgtbt], qbt, s0)
    gk = pltpu.async_copy(k_hbm.at[srcbt], kbt, s1)
    gv = pltpu.async_copy(v_hbm.at[srcbt], vbt, s2)
    gq.wait()
    gk.wait()
    gv.wait()
    _writeout(base_t, TAIL_A, qbt, kbt, vbt)


def _sc_gather(q, k, v, tgt, src):
    mesh = plsc.VectorSubcoreMesh(
        core_axis_name="c", subcore_axis_name="s", num_cores=NC, num_subcores=NS)
    fn = pl.kernel(
        _sc_gather_body,
        out_type=(jax.ShapeDtypeStruct((E, D), _f32),
                  jax.ShapeDtypeStruct((E, D), _f32),
                  jax.ShapeDtypeStruct((E, D), _f32)),
        mesh=mesh,
        scratch_types=[
            pltpu.VMEM((C, D), _f32),
            pltpu.VMEM((C, D), _f32),
            pltpu.VMEM((C, D), _f32),
            pltpu.VMEM((C,), _i32),
            pltpu.VMEM((C,), _i32),
            pltpu.VMEM((C, D), _f32),
            pltpu.VMEM((C, D), _f32),
            pltpu.VMEM((C, D), _f32),
            pltpu.VMEM((C,), _i32),
            pltpu.VMEM((C,), _i32),
            pltpu.VMEM((TAIL_A, D), _f32),
            pltpu.VMEM((TAIL_A, D), _f32),
            pltpu.VMEM((TAIL_A, D), _f32),
            pltpu.VMEM((TAIL_A,), _i32),
            pltpu.VMEM((TAIL_A,), _i32),
            pltpu.SemaphoreType.DMA,
            pltpu.SemaphoreType.DMA,
            pltpu.SemaphoreType.DMA,
            pltpu.SemaphoreType.DMA,
            pltpu.SemaphoreType.DMA,
            pltpu.SemaphoreType.DMA,
        ],
    )
    return fn(q, k, v, tgt, src)



def _edge_body(qg_ref, kg_ref, vg_ref, w_ref, s_ref):
    p = qg_ref[...] * kg_ref[...]
    colh = lax.broadcasted_iota(_i32, (H, D), 1) // DH
    rowh = lax.broadcasted_iota(_i32, (H, D), 0)
    selm = (colh == rowh).astype(_f32)
    s4 = jnp.dot(p, selm.T, preferred_element_type=_f32)
    exrep = jnp.dot(jnp.exp(s4), selm, preferred_element_type=_f32)
    w_ref[...] = vg_ref[...] * exrep
    s_ref[...] = exrep


def _edge(qg, kg, vg):
    blk = 2000
    row_spec = pl.BlockSpec((blk, D), lambda i: (i, 0))
    return pl.pallas_call(
        _edge_body,
        grid=(E // blk,),
        in_specs=[row_spec, row_spec, row_spec],
        out_specs=[row_spec, row_spec],
        out_shape=[jax.ShapeDtypeStruct((E, D), _f32)] * 2,
    )(qg, kg, vg)



def _sc_scatter_body(w_hbm, s_hbm, tgt_hbm,
                     acc_hbm,
                     buf, tgtbuf, buf1, tgtbuf1, buft, tgtbt,
                     sem0, sem1, sem2, sem3,
                     acc_sh):
    cid = lax.axis_index("c")
    sid = lax.axis_index("s")
    row0 = sid * RB
    is_last = sid == NS - 1
    tile_base = sid * EPT_B
    zeros16 = jnp.zeros((L,), _f32)

    def _zw(i, c):
        for j in range(D // L):
            buf[i, pl.ds(j * L, L)] = zeros16
        return c
    lax.fori_loop(0, C, _zw, 0)
    off = 0
    while off < RB:
        sz = min(C, RB - off)
        pltpu.sync_copy(buf.at[pl.ds(0, sz)], acc_sh.at[pl.ds(row0 + off, sz)])
        off += sz

    @pl.when(is_last)
    def _zero_tail():
        pltpu.sync_copy(buf.at[pl.ds(0, RTAIL)], acc_sh.at[pl.ds(RB * NS, RTAIL)])

    plsc.subcore_barrier()

    def _do_chunk(rows_hbm, base, n, tb, rb):
        cp_t = pltpu.async_copy(tgt_hbm.at[pl.ds(base, n)], tb, sem0)
        cp_r = pltpu.async_copy(rows_hbm.at[pl.ds(base, n)], rb, sem1)
        cp_t.wait()
        cp_r.wait()
        pltpu.sync_copy(rb, acc_sh.at[tb], add=True)

    def _mk_pair(rows_hbm):
        def _pair(ci, carry):
            base_a = tile_base + (2 * ci) * C
            base_b = base_a + C
            ta = pltpu.async_copy(tgt_hbm.at[pl.ds(base_a, C)], tgtbuf, sem0)
            ra = pltpu.async_copy(rows_hbm.at[pl.ds(base_a, C)], buf, sem1)
            tb_ = pltpu.async_copy(tgt_hbm.at[pl.ds(base_b, C)], tgtbuf1, sem2)
            rb_ = pltpu.async_copy(rows_hbm.at[pl.ds(base_b, C)], buf1, sem3)
            ta.wait()
            ra.wait()
            pltpu.sync_copy(buf, acc_sh.at[tgtbuf], add=True)
            tb_.wait()
            rb_.wait()
            pltpu.sync_copy(buf1, acc_sh.at[tgtbuf1], add=True)
            return carry
        return _pair

    @pl.when(cid == 0)
    def _do_w():
        lax.fori_loop(0, NCH_B // 2, _mk_pair(w_hbm), 0)
        _do_chunk(w_hbm, tile_base + NCH_B * C, TAIL_B, tgtbt, buft)

    @pl.when(cid == 1)
    def _do_s():
        lax.fori_loop(0, NCH_B // 2, _mk_pair(s_hbm), 0)
        _do_chunk(s_hbm, tile_base + NCH_B * C, TAIL_B, tgtbt, buft)

    plsc.subcore_barrier()

    pltpu.sync_copy(acc_sh.at[pl.ds(row0, RB)], acc_hbm.at[cid, pl.ds(row0, RB)])

    @pl.when(is_last)
    def _write_tail():
        pltpu.sync_copy(acc_sh.at[pl.ds(RB * NS, RTAIL)],
                        acc_hbm.at[cid, pl.ds(RB * NS, RTAIL)])


def _sc_scatter(w, s, tgt):
    mesh = plsc.VectorSubcoreMesh(
        core_axis_name="c", subcore_axis_name="s", num_cores=NC, num_subcores=NS)
    fn = pl.kernel(
        _sc_scatter_body,
        out_type=jax.ShapeDtypeStruct((NC, N, D), _f32),
        mesh=mesh,
        scratch_types=[
            pltpu.VMEM((C, D), _f32),
            pltpu.VMEM((C,), _i32),
            pltpu.VMEM((C, D), _f32),
            pltpu.VMEM((C,), _i32),
            pltpu.VMEM((TAIL_B, D), _f32),
            pltpu.VMEM((TAIL_B,), _i32),
            pltpu.SemaphoreType.DMA,
            pltpu.SemaphoreType.DMA,
            pltpu.SemaphoreType.DMA,
            pltpu.SemaphoreType.DMA,
            pltpu.VMEM_SHARED((N, D), _f32),
        ],
    )
    return fn(w, s, tgt)



def _final_body(x_ref, acc_ref, wo_ref, bo_ref, g_ref, b_ref, o_ref):
    w = acc_ref[0] / (acc_ref[1] + 1e-10)
    y = jnp.dot(w, wo_ref[...], preferred_element_type=_f32) + bo_ref[...] + x_ref[...]
    mu = jnp.mean(y, axis=1, keepdims=True)
    dev = y - mu
    var = jnp.mean(dev * dev, axis=1, keepdims=True)
    o_ref[...] = g_ref[...] * (dev * lax.rsqrt(var + 1e-5)) + b_ref[...]


def _final(x, acc, wo, bo, gamma, beta):
    blk = 1000
    row_spec = pl.BlockSpec((blk, D), lambda i: (i, 0))
    return pl.pallas_call(
        _final_body,
        grid=(N // blk,),
        in_specs=[
            row_spec,
            pl.BlockSpec((NC, blk, D), lambda i: (0, i, 0)),
            pl.BlockSpec((D, D), lambda i: (0, 0)),
            pl.BlockSpec((1, D), lambda i: (0, 0)),
            pl.BlockSpec((1, D), lambda i: (0, 0)),
            pl.BlockSpec((1, D), lambda i: (0, 0)),
        ],
        out_specs=row_spec,
        out_shape=jax.ShapeDtypeStruct((N, D), _f32),
    )(x, acc, wo, bo.reshape(1, D), gamma.reshape(1, D), beta.reshape(1, D))



@jax.jit
def kernel(node_features, edge_index, Wq, bq, Wk, bk, Wv, bv, Wo, bo, gamma, beta):
    src = edge_index[0].astype(_i32)
    tgt = edge_index[1].astype(_i32)
    q, k, v = _qkv(node_features, Wq, bq, Wk, bk, Wv, bv)
    qg, kg, vg = _sc_gather(q, k, v, tgt, src)
    w, s = _edge(qg, kg, vg)
    acc = _sc_scatter(w, s, tgt)
    return _final(node_features, acc, Wo, bo, gamma, beta)

# --- scband reference (transcript-rebuilt; emitter-appended) ---
"""Pipeline reference for scband-simple-node-attn-8521215115943 (READ-ONLY COPY).

The authoritative reference and input builder live on the scoring server;
editing this copy changes nothing except your own understanding.
"""

import math
import jax, jax.numpy as jnp
import numpy as np

D_NODE = 128
NUM_HEADS = 4
N_NODES = 10000
N_EDGES = 320000


def setup_inputs(seed: int = 0) -> dict:
    key = jax.random.key(seed)
    ks = jax.random.split(key, 12)
    scale = 1.0 / math.sqrt(D_NODE)
    node_features = jax.random.normal(ks[0], (N_NODES, D_NODE), dtype=jnp.float32)
    edge_index = jax.random.randint(ks[1], (2, N_EDGES), 0, N_NODES, dtype=jnp.int64)
    Wq = jax.random.normal(ks[2], (D_NODE, D_NODE), dtype=jnp.float32) * scale
    bq = jnp.zeros((D_NODE,), dtype=jnp.float32)
    Wk = jax.random.normal(ks[3], (D_NODE, D_NODE), dtype=jnp.float32) * scale
    bk = jnp.zeros((D_NODE,), dtype=jnp.float32)
    Wv = jax.random.normal(ks[4], (D_NODE, D_NODE), dtype=jnp.float32) * scale
    bv = jnp.zeros((D_NODE,), dtype=jnp.float32)
    Wo = jax.random.normal(ks[5], (D_NODE, D_NODE), dtype=jnp.float32) * scale
    bo = jnp.zeros((D_NODE,), dtype=jnp.float32)
    gamma = jnp.ones((D_NODE,), dtype=jnp.float32)
    beta = jnp.zeros((D_NODE,), dtype=jnp.float32)
    return {"node_features": node_features, "edge_index": edge_index,
            "Wq": Wq, "bq": bq, "Wk": Wk, "bk": bk, "Wv": Wv, "bv": bv,
            "Wo": Wo, "bo": bo, "gamma": gamma, "beta": beta}


def reference(node_features, edge_index, Wq, bq, Wk, bk, Wv, bv, Wo, bo, gamma, beta):
    N = node_features.shape[0]
    H = NUM_HEADS
    d_h = D_NODE // H
    Q = (node_features @ Wq + bq).reshape(N, H, d_h)
    K = (node_features @ Wk + bk).reshape(N, H, d_h)
    V = (node_features @ Wv + bv).reshape(N, H, d_h)
    src = edge_index[0]
    tgt = edge_index[1]
    q_t = Q[tgt]
    k_s = K[src]
    scores = (q_t * k_s).sum(-1) / math.sqrt(d_h)
    # scatter-amax (include_self=False emulated via -1e9 fill, same as torch code)
    max_vals = jnp.full((N, H), -1000000000.0, dtype=scores.dtype).at[tgt].max(scores)
    scores = scores - max_vals[tgt]
    exp_s = jnp.exp(scores)
    sum_exp = jnp.zeros((N, H), dtype=scores.dtype).at[tgt].add(exp_s)
    attn = exp_s / (sum_exp[tgt] + 1e-10)
    weighted = V[src] * attn[..., None]
    out = jnp.zeros((N, H, d_h), dtype=node_features.dtype).at[tgt].add(weighted)
    out = out.reshape(N, D_NODE) @ Wo + bo
    # dropout p=0.0 -> identity
    x = node_features + out
    mean = x.mean(-1, keepdims=True)
    var = ((x - mean) ** 2).mean(-1, keepdims=True)
    xhat = (x - mean) / jnp.sqrt(var + 1e-5)
    return gamma * xhat + beta

if __name__ == "__main__":
    import jax
    _d = setup_inputs()
    print(jax.jit(kernel)(*tuple(_d.values())))

</pallas_src>

<mosaic_0001>
#map = affine_map<(d0, d1) -> (0, 0)>
#map1 = affine_map<(d0, d1) -> (0)>
#map2 = affine_map<(d0, d1) -> (0, 0, 0)>
module attributes {stable_mosaic.version = 14 : i64} {
  func.func @_sc_scatter_body(%arg0: i32, %arg1: i32, %arg2: memref<320000x128xf32, #tpu.memory_space<hbm>>, %arg3: memref<320000x128xf32, #tpu.memory_space<hbm>>, %arg4: memref<320000xi32, #tpu.memory_space<hbm>>, %arg5: memref<2x10000x128xf32, #tpu.memory_space<hbm>>, %arg6: memref<128x128xf32, #tpu.memory_space<vmem>>, %arg7: memref<128xi32, #tpu.memory_space<vmem>>, %arg8: memref<128x128xf32, #tpu.memory_space<vmem>>, %arg9: memref<128xi32, #tpu.memory_space<vmem>>, %arg10: memref<32x128xf32, #tpu.memory_space<vmem>>, %arg11: memref<32xi32, #tpu.memory_space<vmem>>, %arg12: memref<!tpu.dma_semaphore, #tpu.memory_space<semaphore_mem>>, %arg13: memref<!tpu.dma_semaphore, #tpu.memory_space<semaphore_mem>>, %arg14: memref<!tpu.dma_semaphore, #tpu.memory_space<semaphore_mem>>, %arg15: memref<!tpu.dma_semaphore, #tpu.memory_space<semaphore_mem>>, %arg16: memref<10000x128xf32, #tpu.memory_space<vmem_shared>>) attributes {dimension_semantics = [#tpu.dimension_semantics<core_parallel>, #tpu.dimension_semantics<subcore_parallel>], iteration_bounds = array<i64: 2, 16>, scalar_prefetch = 0 : i64, scratch_operands = 11 : i64, tpu.core_type = #tpu.core_type<sc_vector_subcore>, window_params = [{transform_indices = #map}, {transform_indices = #map}, {transform_indices = #map1}, {transform_indices = #map2}]} {
    %mul3A = arith.constant 624 : i32
    %mul3A_0 = arith.muli %arg1, %mul3A : i32
    %eq3A = arith.constant 15 : i32
    %eq3A_1 = arith.cmpi eq, %arg1, %eq3A : i32
    %mul3A_2 = arith.constant 20000 : i32
    %mul3A_3 = arith.muli %arg1, %mul3A_2 : i32
    %broadcast_in_dim3A = arith.constant 0.000000e+00 : f32
    %broadcast_in_dim3A_4 = vector.broadcast %broadcast_in_dim3A : f32 to vector<16xf32>
    %scan3A = arith.constant 0 : i32
    %scan3A_5 = arith.constant 0 : i32
    %scan3A_6 = arith.constant 128 : i32
    %scan3A_7 = arith.addi %scan3A_5, %scan3A_6 : i32
    %scan3A_8 = arith.constant 1 : i32
    scf.for %scan3A_34 = %scan3A_5 to %scan3A_7 step %scan3A_8  : i32 {
      %swap3A = arith.index_cast %scan3A_34 : i32 to index
      %swap3A_35 = arith.constant 0 : index
      %swap3A_36 = tpu.vector_load %arg6[%swap3A, %swap3A_35] {strides = array<i32>} : memref<128x128xf32, #tpu.memory_space<vmem>>, vector<1x16xf32>,
      %swap3A_37 = vector.shape_cast %swap3A_36 : vector<1x16xf32> to vector<16xf32>
      %swap3A_38 = vector.shape_cast %broadcast_in_dim3A_4 : vector<16xf32> to vector<1x16xf32>
      tpu.vector_store %arg6[%swap3A, %swap3A_35], %swap3A_38 {strides = array<i32>} : memref<128x128xf32, #tpu.memory_space<vmem>>, vector<1x16xf32>,
      %swap3A_39 = arith.index_cast %scan3A_34 : i32 to index
      %swap3A_40 = arith.constant 16 : index
      %swap3A_41 = tpu.vector_load %arg6[%swap3A_39, %swap3A_40] {strides = array<i32>} : memref<128x128xf32, #tpu.memory_space<vmem>>, vector<1x16xf32>,
      %swap3A_42 = vector.shape_cast %swap3A_41 : vector<1x16xf32> to vector<16xf32>
      %swap3A_43 = vector.shape_cast %broadcast_in_dim3A_4 : vector<16xf32> to vector<1x16xf32>
      tpu.vector_store %arg6[%swap3A_39, %swap3A_40], %swap3A_43 {strides = array<i32>} : memref<128x128xf32, #tpu.memory_space<vmem>>, vector<1x16xf32>,
      %swap3A_44 = arith.index_cast %scan3A_34 : i32 to index
      %swap3A_45 = arith.constant 32 : index
      %swap3A_46 = tpu.vector_load %arg6[%swap3A_44, %swap3A_45] {strides = array<i32>} : memref<128x128xf32, #tpu.memory_space<vmem>>, vector<1x16xf32>,
      %swap3A_47 = vector.shape_cast %swap3A_46 : vector<1x16xf32> to vector<16xf32>
      %swap3A_48 = vector.shape_cast %broadcast_in_dim3A_4 : vector<16xf32> to vector<1x16xf32>
      tpu.vector_store %arg6[%swap3A_44, %swap3A_45], %swap3A_48 {strides = array<i32>} : memref<128x128xf32, #tpu.memory_space<vmem>>, vector<1x16xf32>,
      %swap3A_49 = arith.index_cast %scan3A_34 : i32 to index
      %swap3A_50 = arith.constant 48 : index
      %swap3A_51 = tpu.vector_load %arg6[%swap3A_49, %swap3A_50] {strides = array<i32>} : memref<128x128xf32, #tpu.memory_space<vmem>>, vector<1x16xf32>,
      %swap3A_52 = vector.shape_cast %swap3A_51 : vector<1x16xf32> to vector<16xf32>
      %swap3A_53 = vector.shape_cast %broadcast_in_dim3A_4 : vector<16xf32> to vector<1x16xf32>
      tpu.vector_store %arg6[%swap3A_49, %swap3A_50], %swap3A_53 {strides = array<i32>} : memref<128x128xf32, #tpu.memory_space<vmem>>, vector<1x16xf32>,
      %swap3A_54 = arith.index_cast %scan3A_34 : i32 to index
      %swap3A_55 = arith.constant 64 : index
      %swap3A_56 = tpu.vector_load %arg6[%swap3A_54, %swap3A_55] {strides = array<i32>} : memref<128x128xf32, #tpu.memory_space<vmem>>, vector<1x16xf32>,
      %swap3A_57 = vector.shape_cast %swap3A_56 : vector<1x16xf32> to vector<16xf32>
      %swap3A_58 = vector.shape_cast %broadcast_in_dim3A_4 : vector<16xf32> to vector<1x16xf32>
      tpu.vector_store %arg6[%swap3A_54, %swap3A_55], %swap3A_58 {strides = array<i32>} : memref<128x128xf32, #tpu.memory_space<vmem>>, vector<1x16xf32>,
      %swap3A_59 = arith.index_cast %scan3A_34 : i32 to index
      %swap3A_60 = arith.constant 80 : index
      %swap3A_61 = tpu.vector_load %arg6[%swap3A_59, %swap3A_60] {strides = array<i32>} : memref<128x128xf32, #tpu.memory_space<vmem>>, vector<1x16xf32>,
      %swap3A_62 = vector.shape_cast %swap3A_61 : vector<1x16xf32> to vector<16xf32>
      %swap3A_63 = vector.shape_cast %broadcast_in_dim3A_4 : vector<16xf32> to vector<1x16xf32>
      tpu.vector_store %arg6[%swap3A_59, %swap3A_60], %swap3A_63 {strides = array<i32>} : memref<128x128xf32, #tpu.memory_space<vmem>>, vector<1x16xf32>,
      %swap3A_64 = arith.index_cast %scan3A_34 : i32 to index
      %swap3A_65 = arith.constant 96 : index
      %swap3A_66 = tpu.vector_load %arg6[%swap3A_64, %swap3A_65] {strides = array<i32>} : memref<128x128xf32, #tpu.memory_space<vmem>>, vector<1x16xf32>,
      %swap3A_67 = vector.shape_cast %swap3A_66 : vector<1x16xf32> to vector<16xf32>
      %swap3A_68 = vector.shape_cast %broadcast_in_dim3A_4 : vector<16xf32> to vector<1x16xf32>
      tpu.vector_store %arg6[%swap3A_64, %swap3A_65], %swap3A_68 {strides = array<i32>} : memref<128x128xf32, #tpu.memory_space<vmem>>, vector<1x16xf32>,
      %swap3A_69 = arith.index_cast %scan3A_34 : i32 to index
      %swap3A_70 = arith.constant 112 : index
      %swap3A_71 = tpu.vector_load %arg6[%swap3A_69, %swap3A_70] {strides = array<i32>} : memref<128x128xf32, #tpu.memory_space<vmem>>, vector<1x16xf32>,
      %swap3A_72 = vector.shape_cast %swap3A_71 : vector<1x16xf32> to vector<16xf32>
      %swap3A_73 = vector.shape_cast %broadcast_in_dim3A_4 : vector<16xf32> to vector<1x16xf32>
      tpu.vector_store %arg6[%swap3A_69, %swap3A_70], %swap3A_73 {strides = array<i32>} : memref<128x128xf32, #tpu.memory_space<vmem>>, vector<1x16xf32>,
    }
    %scan3A_9 = arith.constant 128 : i32
    %add3A = arith.constant 0 : i32
    %add3A_10 = arith.addi %mul3A_0, %add3A : i32
    "tpu.region"() ({
      %run_scoped3A = tpu.sem_alloc : memref<!tpu.dma_semaphore, #tpu.memory_space<semaphore_mem>>
      %dma_start3A = arith.constant 0 : i32
      %dma_start3A_34 = arith.constant 0 : i32
      %dma_start3A_35 = tpu.memref_slice %arg6[%dma_start3A, %dma_start3A_34] : memref<128x128xf32, #tpu.memory_space<vmem>> -> memref<128x128xf32, #tpu.memory_space<vmem>>
      %dma_start3A_36 = arith.constant 0 : i32
      %dma_start3A_37 = tpu.memref_slice %arg16[%add3A_10, %dma_start3A_36] : memref<10000x128xf32, #tpu.memory_space<vmem_shared>> -> memref<128x128xf32, #tpu.memory_space<vmem_shared>>
      %dma_start3A_38 = arith.constant 0 : i32
      %dma_start3A_39 = tpu.memref_slice %arg16[%add3A_10, %dma_start3A_38] : memref<10000x128xf32, #tpu.memory_space<vmem_shared>> -> memref<128x128xf32, #tpu.memory_space<vmem_shared>>
      %dma_start3A_40 = arith.constant 0 : i32
      %dma_start3A_41 = arith.constant 0 : i32
      %dma_start3A_42 = tpu.memref_slice %arg6[%dma_start3A_40, %dma_start3A_41] : memref<128x128xf32, #tpu.memory_space<vmem>> -> memref<128x128xf32, #tpu.memory_space<vmem>>
      tpu.enqueue_dma source(%dma_start3A_42 : memref<128x128xf32, #tpu.memory_space<vmem>>) target(%dma_start3A_39 : memref<128x128xf32, #tpu.memory_space<vmem_shared>>) target_semaphore(%run_scoped3A : memref<!tpu.dma_semaphore, #tpu.memory_space<semaphore_mem>>)
      %dma_wait3A = arith.constant 0 : i32
      %dma_wait3A_43 = arith.constant 0 : i32
      %dma_wait3A_44 = tpu.memref_slice %arg6[%dma_wait3A, %dma_wait3A_43] : memref<128x128xf32, #tpu.memory_space<vmem>> -> memref<128x128xf32, #tpu.memory_space<vmem>>
      %dma_wait3A_45 = arith.constant 0 : i32
      %dma_wait3A_46 = tpu.memref_slice %arg16[%add3A_10, %dma_wait3A_45] : memref<10000x128xf32, #tpu.memory_space<vmem_shared>> -> memref<128x128xf32, #tpu.memory_space<vmem_shared>>
      %dma_wait3A_47 = arith.constant 0 : i32
      %dma_wait3A_48 = tpu.memref_slice %arg16[%add3A_10, %dma_wait3A_47] : memref<10000x128xf32, #tpu.memory_space<vmem_shared>> -> memref<128x128xf32, #tpu.memory_space<vmem_shared>>
      %dma_wait3A_49 = arith.constant 0 : i32
      %dma_wait3A_50 = arith.constant 0 : i32
      %dma_wait3A_51 = tpu.memref_slice %arg6[%dma_wait3A_49, %dma_wait3A_50] : memref<128x128xf32, #tpu.memory_space<vmem>> -> memref<128x128xf32, #tpu.memory_space<vmem>>
      tpu.wait_dma2 semaphore(%run_scoped3A : memref<!tpu.dma_semaphore, #tpu.memory_space<semaphore_mem>>) src(%dma_wait3A_51 : memref<128x128xf32, #tpu.memory_space<vmem>>) dst(%dma_wait3A_48 : memref<128x128xf32, #tpu.memory_space<vmem_shared>>)
      tpu.yield
    }) : () -> ()
    %add3A_11 = arith.constant 128 : i32
    %add3A_12 = arith.addi %mul3A_0, %add3A_11 : i32
    "tpu.region"() ({
      %run_scoped3A = tpu.sem_alloc : memref<!tpu.dma_semaphore, #tpu.memory_space<semaphore_mem>>
      %dma_start3A = arith.constant 0 : i32
      %dma_start3A_34 = arith.constant 0 : i32
      %dma_start3A_35 = tpu.memref_slice %arg6[%dma_start3A, %dma_start3A_34] : memref<128x128xf32, #tpu.memory_space<vmem>> -> memref<128x128xf32, #tpu.memory_space<vmem>>
      %dma_start3A_36 = arith.constant 0 : i32
      %dma_start3A_37 = tpu.memref_slice %arg16[%add3A_12, %dma_start3A_36] : memref<10000x128xf32, #tpu.memory_space<vmem_shared>> -> memref<128x128xf32, #tpu.memory_space<vmem_shared>>
      %dma_start3A_38 = arith.constant 0 : i32
      %dma_start3A_39 = tpu.memref_slice %arg16[%add3A_12, %dma_start3A_38] : memref<10000x128xf32, #tpu.memory_space<vmem_shared>> -> memref<128x128xf32, #tpu.memory_space<vmem_shared>>
      %dma_start3A_40 = arith.constant 0 : i32
      %dma_start3A_41 = arith.constant 0 : i32
      %dma_start3A_42 = tpu.memref_slice %arg6[%dma_start3A_40, %dma_start3A_41] : memref<128x128xf32, #tpu.memory_space<vmem>> -> memref<128x128xf32, #tpu.memory_space<vmem>>
      tpu.enqueue_dma source(%dma_start3A_42 : memref<128x128xf32, #tpu.memory_space<vmem>>) target(%dma_start3A_39 : memref<128x128xf32, #tpu.memory_space<vmem_shared>>) target_semaphore(%run_scoped3A : memref<!tpu.dma_semaphore, #tpu.memory_space<semaphore_mem>>)
      %dma_wait3A = arith.constant 0 : i32
      %dma_wait3A_43 = arith.constant 0 : i32
      %dma_wait3A_44 = tpu.memref_slice %arg6[%dma_wait3A, %dma_wait3A_43] : memref<128x128xf32, #tpu.memory_space<vmem>> -> memref<128x128xf32, #tpu.memory_space<vmem>>
      %dma_wait3A_45 = arith.constant 0 : i32
      %dma_wait3A_46 = tpu.memref_slice %arg16[%add3A_12, %dma_wait3A_45] : memref<10000x128xf32, #tpu.memory_space<vmem_shared>> -> memref<128x128xf32, #tpu.memory_space<vmem_shared>>
      %dma_wait3A_47 = arith.constant 0 : i32
      %dma_wait3A_48 = tpu.memref_slice %arg16[%add3A_12, %dma_wait3A_47] : memref<10000x128xf32, #tpu.memory_space<vmem_shared>> -> memref<128x128xf32, #tpu.memory_space<vmem_shared>>
      %dma_wait3A_49 = arith.constant 0 : i32
      %dma_wait3A_50 = arith.constant 0 : i32
      %dma_wait3A_51 = tpu.memref_slice %arg6[%dma_wait3A_49, %dma_wait3A_50] : memref<128x128xf32, #tpu.memory_space<vmem>> -> memref<128x128xf32, #tpu.memory_space<vmem>>
      tpu.wait_dma2 semaphore(%run_scoped3A : memref<!tpu.dma_semaphore, #tpu.memory_space<semaphore_mem>>) src(%dma_wait3A_51 : memref<128x128xf32, #tpu.memory_space<vmem>>) dst(%dma_wait3A_48 : memref<128x128xf32, #tpu.memory_space<vmem_shared>>)
      tpu.yield
    }) : () -> ()
    %add3A_13 = arith.constant 256 : i32
    %add3A_14 = arith.addi %mul3A_0, %add3A_13 : i32
    "tpu.region"() ({
      %run_scoped3A = tpu.sem_alloc : memref<!tpu.dma_semaphore, #tpu.memory_space<semaphore_mem>>
      %dma_start3A = arith.constant 0 : i32
      %dma_start3A_34 = arith.constant 0 : i32
      %dma_start3A_35 = tpu.memref_slice %arg6[%dma_start3A, %dma_start3A_34] : memref<128x128xf32, #tpu.memory_space<vmem>> -> memref<128x128xf32, #tpu.memory_space<vmem>>
      %dma_start3A_36 = arith.constant 0 : i32
      %dma_start3A_37 = tpu.memref_slice %arg16[%add3A_14, %dma_start3A_36] : memref<10000x128xf32, #tpu.memory_space<vmem_shared>> -> memref<128x128xf32, #tpu.memory_space<vmem_shared>>
      %dma_start3A_38 = arith.constant 0 : i32
      %dma_start3A_39 = tpu.memref_slice %arg16[%add3A_14, %dma_start3A_38] : memref<10000x128xf32, #tpu.memory_space<vmem_shared>> -> memref<128x128xf32, #tpu.memory_space<vmem_shared>>
      %dma_start3A_40 = arith.constant 0 : i32
      %dma_start3A_41 = arith.constant 0 : i32
      %dma_start3A_42 = tpu.memref_slice %arg6[%dma_start3A_40, %dma_start3A_41] : memref<128x128xf32, #tpu.memory_space<vmem>> -> memref<128x128xf32, #tpu.memory_space<vmem>>
      tpu.enqueue_dma source(%dma_start3A_42 : memref<128x128xf32, #tpu.memory_space<vmem>>) target(%dma_start3A_39 : memref<128x128xf32, #tpu.memory_space<vmem_shared>>) target_semaphore(%run_scoped3A : memref<!tpu.dma_semaphore, #tpu.memory_space<semaphore_mem>>)
      %dma_wait3A = arith.constant 0 : i32
      %dma_wait3A_43 = arith.constant 0 : i32
      %dma_wait3A_44 = tpu.memref_slice %arg6[%dma_wait3A, %dma_wait3A_43] : memref<128x128xf32, #tpu.memory_space<vmem>> -> memref<128x128xf32, #tpu.memory_space<vmem>>
      %dma_wait3A_45 = arith.constant 0 : i32
      %dma_wait3A_46 = tpu.memref_slice %arg16[%add3A_14, %dma_wait3A_45] : memref<10000x128xf32, #tpu.memory_space<vmem_shared>> -> memref<128x128xf32, #tpu.memory_space<vmem_shared>>
      %dma_wait3A_47 = arith.constant 0 : i32
      %dma_wait3A_48 = tpu.memref_slice %arg16[%add3A_14, %dma_wait3A_47] : memref<10000x128xf32, #tpu.memory_space<vmem_shared>> -> memref<128x128xf32, #tpu.memory_space<vmem_shared>>
      %dma_wait3A_49 = arith.constant 0 : i32
      %dma_wait3A_50 = arith.constant 0 : i32
      %dma_wait3A_51 = tpu.memref_slice %arg6[%dma_wait3A_49, %dma_wait3A_50] : memref<128x128xf32, #tpu.memory_space<vmem>> -> memref<128x128xf32, #tpu.memory_space<vmem>>
      tpu.wait_dma2 semaphore(%run_scoped3A : memref<!tpu.dma_semaphore, #tpu.memory_space<semaphore_mem>>) src(%dma_wait3A_51 : memref<128x128xf32, #tpu.memory_space<vmem>>) dst(%dma_wait3A_48 : memref<128x128xf32, #tpu.memory_space<vmem_shared>>)
      tpu.yield
    }) : () -> ()
    %add3A_15 = arith.constant 384 : i32
    %add3A_16 = arith.addi %mul3A_0, %add3A_15 : i32
    "tpu.region"() ({
      %run_scoped3A = tpu.sem_alloc : memref<!tpu.dma_semaphore, #tpu.memory_space<semaphore_mem>>
      %dma_start3A = arith.constant 0 : i32
      %dma_start3A_34 = arith.constant 0 : i32
      %dma_start3A_35 = tpu.memref_slice %arg6[%dma_start3A, %dma_start3A_34] : memref<128x128xf32, #tpu.memory_space<vmem>> -> memref<128x128xf32, #tpu.memory_space<vmem>>
      %dma_start3A_36 = arith.constant 0 : i32
      %dma_start3A_37 = tpu.memref_slice %arg16[%add3A_16, %dma_start3A_36] : memref<10000x128xf32, #tpu.memory_space<vmem_shared>> -> memref<128x128xf32, #tpu.memory_space<vmem_shared>>
      %dma_start3A_38 = arith.constant 0 : i32
      %dma_start3A_39 = tpu.memref_slice %arg16[%add3A_16, %dma_start3A_38] : memref<10000x128xf32, #tpu.memory_space<vmem_shared>> -> memref<128x128xf32, #tpu.memory_space<vmem_shared>>
      %dma_start3A_40 = arith.constant 0 : i32
      %dma_start3A_41 = arith.constant 0 : i32
      %dma_start3A_42 = tpu.memref_slice %arg6[%dma_start3A_40, %dma_start3A_41] : memref<128x128xf32, #tpu.memory_space<vmem>> -> memref<128x128xf32, #tpu.memory_space<vmem>>
      tpu.enqueue_dma source(%dma_start3A_42 : memref<128x128xf32, #tpu.memory_space<vmem>>) target(%dma_start3A_39 : memref<128x128xf32, #tpu.memory_space<vmem_shared>>) target_semaphore(%run_scoped3A : memref<!tpu.dma_semaphore, #tpu.memory_space<semaphore_mem>>)
      %dma_wait3A = arith.constant 0 : i32
      %dma_wait3A_43 = arith.constant 0 : i32
      %dma_wait3A_44 = tpu.memref_slice %arg6[%dma_wait3A, %dma_wait3A_43] : memref<128x128xf32, #tpu.memory_space<vmem>> -> memref<128x128xf32, #tpu.memory_space<vmem>>
      %dma_wait3A_45 = arith.constant 0 : i32
      %dma_wait3A_46 = tpu.memref_slice %arg16[%add3A_16, %dma_wait3A_45] : memref<10000x128xf32, #tpu.memory_space<vmem_shared>> -> memref<128x128xf32, #tpu.memory_space<vmem_shared>>
      %dma_wait3A_47 = arith.constant 0 : i32
      %dma_wait3A_48 = tpu.memref_slice %arg16[%add3A_16, %dma_wait3A_47] : memref<10000x128xf32, #tpu.memory_space<vmem_shared>> -> memref<128x128xf32, #tpu.memory_space<vmem_shared>>
      %dma_wait3A_49 = arith.constant 0 : i32
      %dma_wait3A_50 = arith.constant 0 : i32
      %dma_wait3A_51 = tpu.memref_slice %arg6[%dma_wait3A_49, %dma_wait3A_50] : memref<128x128xf32, #tpu.memory_space<vmem>> -> memref<128x128xf32, #tpu.memory_space<vmem>>
      tpu.wait_dma2 semaphore(%run_scoped3A : memref<!tpu.dma_semaphore, #tpu.memory_space<semaphore_mem>>) src(%dma_wait3A_51 : memref<128x128xf32, #tpu.memory_space<vmem>>) dst(%dma_wait3A_48 : memref<128x128xf32, #tpu.memory_space<vmem_shared>>)
      tpu.yield
    }) : () -> ()
    %add3A_17 = arith.constant 512 : i32
    %add3A_18 = arith.addi %mul3A_0, %add3A_17 : i32
    "tpu.region"() ({
      %run_scoped3A = tpu.sem_alloc : memref<!tpu.dma_semaphore, #tpu.memory_space<semaphore_mem>>
      %dma_start3A = arith.constant 0 : i32
      %dma_start3A_34 = arith.constant 0 : i32
      %dma_start3A_35 = tpu.memref_slice %arg6[%dma_start3A, %dma_start3A_34] : memref<128x128xf32, #tpu.memory_space<vmem>> -> memref<112x128xf32, #tpu.memory_space<vmem>>
      %dma_start3A_36 = arith.constant 0 : i32
      %dma_start3A_37 = tpu.memref_slice %arg16[%add3A_18, %dma_start3A_36] : memref<10000x128xf32, #tpu.memory_space<vmem_shared>> -> memref<112x128xf32, #tpu.memory_space<vmem_shared>>
      %dma_start3A_38 = arith.constant 0 : i32
      %dma_start3A_39 = tpu.memref_slice %arg16[%add3A_18, %dma_start3A_38] : memref<10000x128xf32, #tpu.memory_space<vmem_shared>> -> memref<112x128xf32, #tpu.memory_space<vmem_shared>>
      %dma_start3A_40 = arith.constant 0 : i32
      %dma_start3A_41 = arith.constant 0 : i32
      %dma_start3A_42 = tpu.memref_slice %arg6[%dma_start3A_40, %dma_start3A_41] : memref<128x128xf32, #tpu.memory_space<vmem>> -> memref<112x128xf32, #tpu.memory_space<vmem>>
      tpu.enqueue_dma source(%dma_start3A_42 : memref<112x128xf32, #tpu.memory_space<vmem>>) target(%dma_start3A_39 : memref<112x128xf32, #tpu.memory_space<vmem_shared>>) target_semaphore(%run_scoped3A : memref<!tpu.dma_semaphore, #tpu.memory_space<semaphore_mem>>)
      %dma_wait3A = arith.constant 0 : i32
      %dma_wait3A_43 = arith.constant 0 : i32
      %dma_wait3A_44 = tpu.memref_slice %arg6[%dma_wait3A, %dma_wait3A_43] : memref<128x128xf32, #tpu.memory_space<vmem>> -> memref<112x128xf32, #tpu.memory_space<vmem>>
      %dma_wait3A_45 = arith.constant 0 : i32
      %dma_wait3A_46 = tpu.memref_slice %arg16[%add3A_18, %dma_wait3A_45] : memref<10000x128xf32, #tpu.memory_space<vmem_shared>> -> memref<112x128xf32, #tpu.memory_space<vmem_shared>>
      %dma_wait3A_47 = arith.constant 0 : i32
      %dma_wait3A_48 = tpu.memref_slice %arg16[%add3A_18, %dma_wait3A_47] : memref<10000x128xf32, #tpu.memory_space<vmem_shared>> -> memref<112x128xf32, #tpu.memory_space<vmem_shared>>
      %dma_wait3A_49 = arith.constant 0 : i32
      %dma_wait3A_50 = arith.constant 0 : i32
      %dma_wait3A_51 = tpu.memref_slice %arg6[%dma_wait3A_49, %dma_wait3A_50] : memref<128x128xf32, #tpu.memory_space<vmem>> -> memref<112x128xf32, #tpu.memory_space<vmem>>
      tpu.wait_dma2 semaphore(%run_scoped3A : memref<!tpu.dma_semaphore, #tpu.memory_space<semaphore_mem>>) src(%dma_wait3A_51 : memref<112x128xf32, #tpu.memory_space<vmem>>) dst(%dma_wait3A_48 : memref<112x128xf32, #tpu.memory_space<vmem_shared>>)
      tpu.yield
    }) : () -> ()
    %convert_element_type3A = arith.extui %eq3A_1 : i1 to i32
    %cond3A = arith.constant 0 : i32
    %cond3A_19 = arith.cmpi ne, %convert_element_type3A, %cond3A : i32
    scf.if %cond3A_19 {
      "tpu.region"() ({
        %run_scoped3A = tpu.sem_alloc : memref<!tpu.dma_semaphore, #tpu.memory_space<semaphore_mem>>
        %dma_start3A = arith.constant 0 : i32
        %dma_start3A_34 = arith.constant 0 : i32
        %dma_start3A_35 = tpu.memref_slice %arg6[%dma_start3A, %dma_start3A_34] : memref<128x128xf32, #tpu.memory_space<vmem>> -> memref<16x128xf32, #tpu.memory_space<vmem>>
        %dma_start3A_36 = arith.constant 9984 : i32
        %dma_start3A_37 = arith.constant 0 : i32
        %dma_start3A_38 = tpu.memref_slice %arg16[%dma_start3A_36, %dma_start3A_37] : memref<10000x128xf32, #tpu.memory_space<vmem_shared>> -> memref<16x128xf32, #tpu.memory_space<vmem_shared>>
        %dma_start3A_39 = arith.constant 9984 : i32
        %dma_start3A_40 = arith.constant 0 : i32
        %dma_start3A_41 = tpu.memref_slice %arg16[%dma_start3A_39, %dma_start3A_40] : memref<10000x128xf32, #tpu.memory_space<vmem_shared>> -> memref<16x128xf32, #tpu.memory_space<vmem_shared>>
        %dma_start3A_42 = arith.constant 0 : i32
        %dma_start3A_43 = arith.constant 0 : i32
        %dma_start3A_44 = tpu.memref_slice %arg6[%dma_start3A_42, %dma_start3A_43] : memref<128x128xf32, #tpu.memory_space<vmem>> -> memref<16x128xf32, #tpu.memory_space<vmem>>
        tpu.enqueue_dma source(%dma_start3A_44 : memref<16x128xf32, #tpu.memory_space<vmem>>) target(%dma_start3A_41 : memref<16x128xf32, #tpu.memory_space<vmem_shared>>) target_semaphore(%run_scoped3A : memref<!tpu.dma_semaphore, #tpu.memory_space<semaphore_mem>>)
        %dma_wait3A = arith.constant 0 : i32
        %dma_wait3A_45 = arith.constant 0 : i32
        %dma_wait3A_46 = tpu.memref_slice %arg6[%dma_wait3A, %dma_wait3A_45] : memref<128x128xf32, #tpu.memory_space<vmem>> -> memref<16x128xf32, #tpu.memory_space<vmem>>
        %dma_wait3A_47 = arith.constant 9984 : i32
        %dma_wait3A_48 = arith.constant 0 : i32
        %dma_wait3A_49 = tpu.memref_slice %arg16[%dma_wait3A_47, %dma_wait3A_48] : memref<10000x128xf32, #tpu.memory_space<vmem_shared>> -> memref<16x128xf32, #tpu.memory_space<vmem_shared>>
        %dma_wait3A_50 = arith.constant 9984 : i32
        %dma_wait3A_51 = arith.constant 0 : i32
        %dma_wait3A_52 = tpu.memref_slice %arg16[%dma_wait3A_50, %dma_wait3A_51] : memref<10000x128xf32, #tpu.memory_space<vmem_shared>> -> memref<16x128xf32, #tpu.memory_space<vmem_shared>>
        %dma_wait3A_53 = arith.constant 0 : i32
        %dma_wait3A_54 = arith.constant 0 : i32
        %dma_wait3A_55 = tpu.memref_slice %arg6[%dma_wait3A_53, %dma_wait3A_54] : memref<128x128xf32, #tpu.memory_space<vmem>> -> memref<16x128xf32, #tpu.memory_space<vmem>>
        tpu.wait_dma2 semaphore(%run_scoped3A : memref<!tpu.dma_semaphore, #tpu.memory_space<semaphore_mem>>) src(%dma_wait3A_55 : memref<16x128xf32, #tpu.memory_space<vmem>>) dst(%dma_wait3A_52 : memref<16x128xf32, #tpu.memory_space<vmem_shared>>)
        tpu.yield
      }) : () -> ()
    } else {
    }
    %barrier3A = arith.constant 0 : index
    tpu.barrier barrier_id(%barrier3A)
    %eq3A_20 = arith.constant 0 : i32
    %eq3A_21 = arith.cmpi eq, %arg0, %eq3A_20 : i32
    %convert_element_type3A_22 = arith.extui %eq3A_21 : i1 to i32
    %cond3A_23 = arith.constant 0 : i32
    %cond3A_24 = arith.cmpi ne, %convert_element_type3A_22, %cond3A_23 : i32
    scf.if %cond3A_24 {
      %scan3A_34 = arith.constant 0 : i32
      %scan3A_35 = arith.constant 0 : i32
      %scan3A_36 = arith.constant 78 : i32
      %scan3A_37 = arith.addi %scan3A_35, %scan3A_36 : i32
      %scan3A_38 = arith.constant 1 : i32
      scf.for %scan3A_52 = %scan3A_35 to %scan3A_37 step %scan3A_38  : i32 {
        %mul3A_53 = arith.constant 2 : i32
        %mul3A_54 = arith.muli %mul3A_53, %scan3A_52 : i32
        %mul3A_55 = arith.constant 128 : i32
        %mul3A_56 = arith.muli %mul3A_54, %mul3A_55 : i32
        %add3A_57 = arith.addi %mul3A_3, %mul3A_56 : i32
        %add3A_58 = arith.constant 128 : i32
        %add3A_59 = arith.addi %add3A_57, %add3A_58 : i32
        %dma_start3A_60 = tpu.memref_slice %arg4[%add3A_57] : memref<320000xi32, #tpu.memory_space<hbm>> -> memref<128xi32, #tpu.memory_space<hbm>>
        %dma_start3A_61 = tpu.memref_slice %arg4[%add3A_57] : memref<320000xi32, #tpu.memory_space<hbm>> -> memref<128xi32, #tpu.memory_space<hbm>>
        tpu.enqueue_dma source(%dma_start3A_61 : memref<128xi32, #tpu.memory_space<hbm>>) target(%arg7 : memref<128xi32, #tpu.memory_space<vmem>>) target_semaphore(%arg12 : memref<!tpu.dma_semaphore, #tpu.memory_space<semaphore_mem>>)
        %dma_start3A_62 = arith.constant 0 : i32
        %dma_start3A_63 = tpu.memref_slice %arg2[%add3A_57, %dma_start3A_62] : memref<320000x128xf32, #tpu.memory_space<hbm>> -> memref<128x128xf32, #tpu.memory_space<hbm>>
        %dma_start3A_64 = arith.constant 0 : i32
        %dma_start3A_65 = tpu.memref_slice %arg2[%add3A_57, %dma_start3A_64] : memref<320000x128xf32, #tpu.memory_space<hbm>> -> memref<128x128xf32, #tpu.memory_space<hbm>>
        tpu.enqueue_dma source(%dma_start3A_65 : memref<128x128xf32, #tpu.memory_space<hbm>>) target(%arg6 : memref<128x128xf32, #tpu.memory_space<vmem>>) target_semaphore(%arg13 : memref<!tpu.dma_semaphore, #tpu.memory_space<semaphore_mem>>)
        %dma_start3A_66 = tpu.memref_slice %arg4[%add3A_59] : memref<320000xi32, #tpu.memory_space<hbm>> -> memref<128xi32, #tpu.memory_space<hbm>>
        %dma_start3A_67 = tpu.memref_slice %arg4[%add3A_59] : memref<320000xi32, #tpu.memory_space<hbm>> -> memref<128xi32, #tpu.memory_space<hbm>>
        tpu.enqueue_dma source(%dma_start3A_67 : memref<128xi32, #tpu.memory_space<hbm>>) target(%arg9 : memref<128xi32, #tpu.memory_space<vmem>>) target_semaphore(%arg14 : memref<!tpu.dma_semaphore, #tpu.memory_space<semaphore_mem>>)
        %dma_start3A_68 = arith.constant 0 : i32
        %dma_start3A_69 = tpu.memref_slice %arg2[%add3A_59, %dma_start3A_68] : memref<320000x128xf32, #tpu.memory_space<hbm>> -> memref<128x128xf32, #tpu.memory_space<hbm>>
        %dma_start3A_70 = arith.constant 0 : i32
        %dma_start3A_71 = tpu.memref_slice %arg2[%add3A_59, %dma_start3A_70] : memref<320000x128xf32, #tpu.memory_space<hbm>> -> memref<128x128xf32, #tpu.memory_space<hbm>>
        tpu.enqueue_dma source(%dma_start3A_71 : memref<128x128xf32, #tpu.memory_space<hbm>>) target(%arg8 : memref<128x128xf32, #tpu.memory_space<vmem>>) target_semaphore(%arg15 : memref<!tpu.dma_semaphore, #tpu.memory_space<semaphore_mem>>)
        %dma_wait3A_72 = tpu.memref_slice %arg4[%add3A_57] : memref<320000xi32, #tpu.memory_space<hbm>> -> memref<128xi32, #tpu.memory_space<hbm>>
        %dma_wait3A_73 = tpu.memref_slice %arg4[%add3A_57] : memref<320000xi32, #tpu.memory_space<hbm>> -> memref<128xi32, #tpu.memory_space<hbm>>
        tpu.wait_dma2 semaphore(%arg12 : memref<!tpu.dma_semaphore, #tpu.memory_space<semaphore_mem>>) src(%dma_wait3A_73 : memref<128xi32, #tpu.memory_space<hbm>>) dst(%arg7 : memref<128xi32, #tpu.memory_space<vmem>>)
        %dma_wait3A_74 = arith.constant 0 : i32
        %dma_wait3A_75 = tpu.memref_slice %arg2[%add3A_57, %dma_wait3A_74] : memref<320000x128xf32, #tpu.memory_space<hbm>> -> memref<128x128xf32, #tpu.memory_space<hbm>>
        %dma_wait3A_76 = arith.constant 0 : i32
        %dma_wait3A_77 = tpu.memref_slice %arg2[%add3A_57, %dma_wait3A_76] : memref<320000x128xf32, #tpu.memory_space<hbm>> -> memref<128x128xf32, #tpu.memory_space<hbm>>
        tpu.wait_dma2 semaphore(%arg13 : memref<!tpu.dma_semaphore, #tpu.memory_space<semaphore_mem>>) src(%dma_wait3A_77 : memref<128x128xf32, #tpu.memory_space<hbm>>) dst(%arg6 : memref<128x128xf32, #tpu.memory_space<vmem>>)
        "tpu.region"() ({
          %run_scoped3A = tpu.sem_alloc : memref<!tpu.dma_semaphore, #tpu.memory_space<semaphore_mem>>
          %dma_start3A_84 = arith.constant 0 : i32
          %dma_start3A_85 = arith.constant 0 : i32
          %dma_start3A_86 = tpu.memref_slice %arg16[%dma_start3A_84, %dma_start3A_85] : memref<10000x128xf32, #tpu.memory_space<vmem_shared>> -> memref<10000x128xf32, #tpu.memory_space<vmem_shared>>
          tpu.enqueue_indirect_dma source(%arg6 : memref<128x128xf32, #tpu.memory_space<vmem>>) target(%dma_start3A_86 : memref<10000x128xf32, #tpu.memory_space<vmem_shared>>) offsets(%arg7 : memref<128xi32, #tpu.memory_space<vmem>>) semaphore(%run_scoped3A : memref<!tpu.dma_semaphore, #tpu.memory_space<semaphore_mem>>) {add = true}
          %dma_wait3A_87 = arith.constant 0 : i32
          %dma_wait3A_88 = arith.constant 0 : i32
          %dma_wait3A_89 = tpu.memref_slice %arg16[%dma_wait3A_87, %dma_wait3A_88] : memref<10000x128xf32, #tpu.memory_space<vmem_shared>> -> memref<10000x128xf32, #tpu.memory_space<vmem_shared>>
          tpu.wait_indirect_dma semaphore(%run_scoped3A : memref<!tpu.dma_semaphore, #tpu.memory_space<semaphore_mem>>) src(%arg6 : memref<128x128xf32, #tpu.memory_space<vmem>>) dst(%dma_wait3A_89 : memref<10000x128xf32, #tpu.memory_space<vmem_shared>>)
          tpu.yield
        }) : () -> ()
        %dma_wait3A_78 = tpu.memref_slice %arg4[%add3A_59] : memref<320000xi32, #tpu.memory_space<hbm>> -> memref<128xi32, #tpu.memory_space<hbm>>
        %dma_wait3A_79 = tpu.memref_slice %arg4[%add3A_59] : memref<320000xi32, #tpu.memory_space<hbm>> -> memref<128xi32, #tpu.memory_space<hbm>>
        tpu.wait_dma2 semaphore(%arg14 : memref<!tpu.dma_semaphore, #tpu.memory_space<semaphore_mem>>) src(%dma_wait3A_79 : memref<128xi32, #tpu.memory_space<hbm>>) dst(%arg9 : memref<128xi32, #tpu.memory_space<vmem>>)
        %dma_wait3A_80 = arith.constant 0 : i32
        %dma_wait3A_81 = tpu.memref_slice %arg2[%add3A_59, %dma_wait3A_80] : memref<320000x128xf32, #tpu.memory_space<hbm>> -> memref<128x128xf32, #tpu.memory_space<hbm>>
        %dma_wait3A_82 = arith.constant 0 : i32
        %dma_wait3A_83 = tpu.memref_slice %arg2[%add3A_59, %dma_wait3A_82] : memref<320000x128xf32, #tpu.memory_space<hbm>> -> memref<128x128xf32, #tpu.memory_space<hbm>>
        tpu.wait_dma2 semaphore(%arg15 : memref<!tpu.dma_semaphore, #tpu.memory_space<semaphore_mem>>) src(%dma_wait3A_83 : memref<128x128xf32, #tpu.memory_space<hbm>>) dst(%arg8 : memref<128x128xf32, #tpu.memory_space<vmem>>)
        "tpu.region"() ({
          %run_scoped3A = tpu.sem_alloc : memref<!tpu.dma_semaphore, #tpu.memory_space<semaphore_mem>>
          %dma_start3A_84 = arith.constant 0 : i32
          %dma_start3A_85 = arith.constant 0 : i32
          %dma_start3A_86 = tpu.memref_slice %arg16[%dma_start3A_84, %dma_start3A_85] : memref<10000x128xf32, #tpu.memory_space<vmem_shared>> -> memref<10000x128xf32, #tpu.memory_space<vmem_shared>>
          tpu.enqueue_indirect_dma source(%arg8 : memref<128x128xf32, #tpu.memory_space<vmem>>) target(%dma_start3A_86 : memref<10000x128xf32, #tpu.memory_space<vmem_shared>>) offsets(%arg9 : memref<128xi32, #tpu.memory_space<vmem>>) semaphore(%run_scoped3A : memref<!tpu.dma_semaphore, #tpu.memory_space<semaphore_mem>>) {add = true}
          %dma_wait3A_87 = arith.constant 0 : i32
          %dma_wait3A_88 = arith.constant 0 : i32
          %dma_wait3A_89 = tpu.memref_slice %arg16[%dma_wait3A_87, %dma_wait3A_88] : memref<10000x128xf32, #tpu.memory_space<vmem_shared>> -> memref<10000x128xf32, #tpu.memory_space<vmem_shared>>
          tpu.wait_indirect_dma semaphore(%run_scoped3A : memref<!tpu.dma_semaphore, #tpu.memory_space<semaphore_mem>>) src(%arg8 : memref<128x128xf32, #tpu.memory_space<vmem>>) dst(%dma_wait3A_89 : memref<10000x128xf32, #tpu.memory_space<vmem_shared>>)
          tpu.yield
        }) : () -> ()
      }
      %scan3A_39 = arith.constant 78 : i32
      %add3A_40 = arith.constant 19968 : i32
      %add3A_41 = arith.addi %mul3A_3, %add3A_40 : i32
      %dma_start3A = tpu.memref_slice %arg4[%add3A_41] : memref<320000xi32, #tpu.memory_space<hbm>> -> memref<32xi32, #tpu.memory_space<hbm>>
      %dma_start3A_42 = tpu.memref_slice %arg4[%add3A_41] : memref<320000xi32, #tpu.memory_space<hbm>> -> memref<32xi32, #tpu.memory_space<hbm>>
      tpu.enqueue_dma source(%dma_start3A_42 : memref<32xi32, #tpu.memory_space<hbm>>) target(%arg11 : memref<32xi32, #tpu.memory_space<vmem>>) target_semaphore(%arg12 : memref<!tpu.dma_semaphore, #tpu.memory_space<semaphore_mem>>)
      %dma_start3A_43 = arith.constant 0 : i32
      %dma_start3A_44 = tpu.memref_slice %arg2[%add3A_41, %dma_start3A_43] : memref<320000x128xf32, #tpu.memory_space<hbm>> -> memref<32x128xf32, #tpu.memory_space<hbm>>
      %dma_start3A_45 = arith.constant 0 : i32
      %dma_start3A_46 = tpu.memref_slice %arg2[%add3A_41, %dma_start3A_45] : memref<320000x128xf32, #tpu.memory_space<hbm>> -> memref<32x128xf32, #tpu.memory_space<hbm>>
      tpu.enqueue_dma source(%dma_start3A_46 : memref<32x128xf32, #tpu.memory_space<hbm>>) target(%arg10 : memref<32x128xf32, #tpu.memory_space<vmem>>) target_semaphore(%arg13 : memref<!tpu.dma_semaphore, #tpu.memory_space<semaphore_mem>>)
      %dma_wait3A = tpu.memref_slice %arg4[%add3A_41] : memref<320000xi32, #tpu.memory_space<hbm>> -> memref<32xi32, #tpu.memory_space<hbm>>
      %dma_wait3A_47 = tpu.memref_slice %arg4[%add3A_41] : memref<320000xi32, #tpu.memory_space<hbm>> -> memref<32xi32, #tpu.memory_space<hbm>>
      tpu.wait_dma2 semaphore(%arg12 : memref<!tpu.dma_semaphore, #tpu.memory_space<semaphore_mem>>) src(%dma_wait3A_47 : memref<32xi32, #tpu.memory_space<hbm>>) dst(%arg11 : memref<32xi32, #tpu.memory_space<vmem>>)
      %dma_wait3A_48 = arith.constant 0 : i32
      %dma_wait3A_49 = tpu.memref_slice %arg2[%add3A_41, %dma_wait3A_48] : memref<320000x128xf32, #tpu.memory_space<hbm>> -> memref<32x128xf32, #tpu.memory_space<hbm>>
      %dma_wait3A_50 = arith.constant 0 : i32
      %dma_wait3A_51 = tpu.memref_slice %arg2[%add3A_41, %dma_wait3A_50] : memref<320000x128xf32, #tpu.memory_space<hbm>> -> memref<32x128xf32, #tpu.memory_space<hbm>>
      tpu.wait_dma2 semaphore(%arg13 : memref<!tpu.dma_semaphore, #tpu.memory_space<semaphore_mem>>) src(%dma_wait3A_51 : memref<32x128xf32, #tpu.memory_space<hbm>>) dst(%arg10 : memref<32x128xf32, #tpu.memory_space<vmem>>)
      "tpu.region"() ({
        %run_scoped3A = tpu.sem_alloc : memref<!tpu.dma_semaphore, #tpu.memory_space<semaphore_mem>>
        %dma_start3A_52 = arith.constant 0 : i32
        %dma_start3A_53 = arith.constant 0 : i32
        %dma_start3A_54 = tpu.memref_slice %arg16[%dma_start3A_52, %dma_start3A_53] : memref<10000x128xf32, #tpu.memory_space<vmem_shared>> -> memref<10000x128xf32, #tpu.memory_space<vmem_shared>>
        tpu.enqueue_indirect_dma source(%arg10 : memref<32x128xf32, #tpu.memory_space<vmem>>) target(%dma_start3A_54 : memref<10000x128xf32, #tpu.memory_space<vmem_shared>>) offsets(%arg11 : memref<32xi32, #tpu.memory_space<vmem>>) semaphore(%run_scoped3A : memref<!tpu.dma_semaphore, #tpu.memory_space<semaphore_mem>>) {add = true}
        %dma_wait3A_55 = arith.constant 0 : i32
        %dma_wait3A_56 = arith.constant 0 : i32
        %dma_wait3A_57 = tpu.memref_slice %arg16[%dma_wait3A_55, %dma_wait3A_56] : memref<10000x128xf32, #tpu.memory_space<vmem_shared>> -> memref<10000x128xf32, #tpu.memory_space<vmem_shared>>
        tpu.wait_indirect_dma semaphore(%run_scoped3A : memref<!tpu.dma_semaphore, #tpu.memory_space<semaphore_mem>>) src(%arg10 : memref<32x128xf32, #tpu.memory_space<vmem>>) dst(%dma_wait3A_57 : memref<10000x128xf32, #tpu.memory_space<vmem_shared>>)
        tpu.yield
      }) : () -> ()
    } else {
    }
    %eq3A_25 = arith.constant 1 : i32
    %eq3A_26 = arith.cmpi eq, %arg0, %eq3A_25 : i32
    %convert_element_type3A_27 = arith.extui %eq3A_26 : i1 to i32
    %cond3A_28 = arith.constant 0 : i32
    %cond3A_29 = arith.cmpi ne, %convert_element_type3A_27, %cond3A_28 : i32
    scf.if %cond3A_29 {
      %scan3A_34 = arith.constant 0 : i32
      %scan3A_35 = arith.constant 0 : i32
      %scan3A_36 = arith.constant 78 : i32
      %scan3A_37 = arith.addi %scan3A_35, %scan3A_36 : i32
      %scan3A_38 = arith.constant 1 : i32
      scf.for %scan3A_52 = %scan3A_35 to %scan3A_37 step %scan3A_38  : i32 {
        %mul3A_53 = arith.constant 2 : i32
        %mul3A_54 = arith.muli %mul3A_53, %scan3A_52 : i32
        %mul3A_55 = arith.constant 128 : i32
        %mul3A_56 = arith.muli %mul3A_54, %mul3A_55 : i32
        %add3A_57 = arith.addi %mul3A_3, %mul3A_56 : i32
        %add3A_58 = arith.constant 128 : i32
        %add3A_59 = arith.addi %add3A_57, %add3A_58 : i32
        %dma_start3A_60 = tpu.memref_slice %arg4[%add3A_57] : memref<320000xi32, #tpu.memory_space<hbm>> -> memref<128xi32, #tpu.memory_space<hbm>>
        %dma_start3A_61 = tpu.memref_slice %arg4[%add3A_57] : memref<320000xi32, #tpu.memory_space<hbm>> -> memref<128xi32, #tpu.memory_space<hbm>>
        tpu.enqueue_dma source(%dma_start3A_61 : memref<128xi32, #tpu.memory_space<hbm>>) target(%arg7 : memref<128xi32, #tpu.memory_space<vmem>>) target_semaphore(%arg12 : memref<!tpu.dma_semaphore, #tpu.memory_space<semaphore_mem>>)
        %dma_start3A_62 = arith.constant 0 : i32
        %dma_start3A_63 = tpu.memref_slice %arg3[%add3A_57, %dma_start3A_62] : memref<320000x128xf32, #tpu.memory_space<hbm>> -> memref<128x128xf32, #tpu.memory_space<hbm>>
        %dma_start3A_64 = arith.constant 0 : i32
        %dma_start3A_65 = tpu.memref_slice %arg3[%add3A_57, %dma_start3A_64] : memref<320000x128xf32, #tpu.memory_space<hbm>> -> memref<128x128xf32, #tpu.memory_space<hbm>>
        tpu.enqueue_dma source(%dma_start3A_65 : memref<128x128xf32, #tpu.memory_space<hbm>>) target(%arg6 : memref<128x128xf32, #tpu.memory_space<vmem>>) target_semaphore(%arg13 : memref<!tpu.dma_semaphore, #tpu.memory_space<semaphore_mem>>)
        %dma_start3A_66 = tpu.memref_slice %arg4[%add3A_59] : memref<320000xi32, #tpu.memory_space<hbm>> -> memref<128xi32, #tpu.memory_space<hbm>>
        %dma_start3A_67 = tpu.memref_slice %arg4[%add3A_59] : memref<320000xi32, #tpu.memory_space<hbm>> -> memref<128xi32, #tpu.memory_space<hbm>>
        tpu.enqueue_dma source(%dma_start3A_67 : memref<128xi32, #tpu.memory_space<hbm>>) target(%arg9 : memref<128xi32, #tpu.memory_space<vmem>>) target_semaphore(%arg14 : memref<!tpu.dma_semaphore, #tpu.memory_space<semaphore_mem>>)
        %dma_start3A_68 = arith.constant 0 : i32
        %dma_start3A_69 = tpu.memref_slice %arg3[%add3A_59, %dma_start3A_68] : memref<320000x128xf32, #tpu.memory_space<hbm>> -> memref<128x128xf32, #tpu.memory_space<hbm>>
        %dma_start3A_70 = arith.constant 0 : i32
        %dma_start3A_71 = tpu.memref_slice %arg3[%add3A_59, %dma_start3A_70] : memref<320000x128xf32, #tpu.memory_space<hbm>> -> memref<128x128xf32, #tpu.memory_space<hbm>>
        tpu.enqueue_dma source(%dma_start3A_71 : memref<128x128xf32, #tpu.memory_space<hbm>>) target(%arg8 : memref<128x128xf32, #tpu.memory_space<vmem>>) target_semaphore(%arg15 : memref<!tpu.dma_semaphore, #tpu.memory_space<semaphore_mem>>)
        %dma_wait3A_72 = tpu.memref_slice %arg4[%add3A_57] : memref<320000xi32, #tpu.memory_space<hbm>> -> memref<128xi32, #tpu.memory_space<hbm>>
        %dma_wait3A_73 = tpu.memref_slice %arg4[%add3A_57] : memref<320000xi32, #tpu.memory_space<hbm>> -> memref<128xi32, #tpu.memory_space<hbm>>
        tpu.wait_dma2 semaphore(%arg12 : memref<!tpu.dma_semaphore, #tpu.memory_space<semaphore_mem>>) src(%dma_wait3A_73 : memref<128xi32, #tpu.memory_space<hbm>>) dst(%arg7 : memref<128xi32, #tpu.memory_space<vmem>>)
        %dma_wait3A_74 = arith.constant 0 : i32
        %dma_wait3A_75 = tpu.memref_slice %arg3[%add3A_57, %dma_wait3A_74] : memref<320000x128xf32, #tpu.memory_space<hbm>> -> memref<128x128xf32, #tpu.memory_space<hbm>>
        %dma_wait3A_76 = arith.constant 0 : i32
        %dma_wait3A_77 = tpu.memref_slice %arg3[%add3A_57, %dma_wait3A_76] : memref<320000x128xf32, #tpu.memory_space<hbm>> -> memref<128x128xf32, #tpu.memory_space<hbm>>
        tpu.wait_dma2 semaphore(%arg13 : memref<!tpu.dma_semaphore, #tpu.memory_space<semaphore_mem>>) src(%dma_wait3A_77 : memref<128x128xf32, #tpu.memory_space<hbm>>) dst(%arg6 : memref<128x128xf32, #tpu.memory_space<vmem>>)
        "tpu.region"() ({
          %run_scoped3A = tpu.sem_alloc : memref<!tpu.dma_semaphore, #tpu.memory_space<semaphore_mem>>
          %dma_start3A_84 = arith.constant 0 : i32
          %dma_start3A_85 = arith.constant 0 : i32
          %dma_start3A_86 = tpu.memref_slice %arg16[%dma_start3A_84, %dma_start3A_85] : memref<10000x128xf32, #tpu.memory_space<vmem_shared>> -> memref<10000x128xf32, #tpu.memory_space<vmem_shared>>
          tpu.enqueue_indirect_dma source(%arg6 : memref<128x128xf32, #tpu.memory_space<vmem>>) target(%dma_start3A_86 : memref<10000x128xf32, #tpu.memory_space<vmem_shared>>) offsets(%arg7 : memref<128xi32, #tpu.memory_space<vmem>>) semaphore(%run_scoped3A : memref<!tpu.dma_semaphore, #tpu.memory_space<semaphore_mem>>) {add = true}
          %dma_wait3A_87 = arith.constant 0 : i32
          %dma_wait3A_88 = arith.constant 0 : i32
          %dma_wait3A_89 = tpu.memref_slice %arg16[%dma_wait3A_87, %dma_wait3A_88] : memref<10000x128xf32, #tpu.memory_space<vmem_shared>> -> memref<10000x128xf32, #tpu.memory_space<vmem_shared>>
          tpu.wait_indirect_dma semaphore(%run_scoped3A : memref<!tpu.dma_semaphore, #tpu.memory_space<semaphore_mem>>) src(%arg6 : memref<128x128xf32, #tpu.memory_space<vmem>>) dst(%dma_wait3A_89 : memref<10000x128xf32, #tpu.memory_space<vmem_shared>>)
          tpu.yield
        }) : () -> ()
        %dma_wait3A_78 = tpu.memref_slice %arg4[%add3A_59] : memref<320000xi32, #tpu.memory_space<hbm>> -> memref<128xi32, #tpu.memory_space<hbm>>
        %dma_wait3A_79 = tpu.memref_slice %arg4[%add3A_59] : memref<320000xi32, #tpu.memory_space<hbm>> -> memref<128xi32, #tpu.memory_space<hbm>>
        tpu.wait_dma2 semaphore(%arg14 : memref<!tpu.dma_semaphore, #tpu.memory_space<semaphore_mem>>) src(%dma_wait3A_79 : memref<128xi32, #tpu.memory_space<hbm>>) dst(%arg9 : memref<128xi32, #tpu.memory_space<vmem>>)
        %dma_wait3A_80 = arith.constant 0 : i32
        %dma_wait3A_81 = tpu.memref_slice %arg3[%add3A_59, %dma_wait3A_80] : memref<320000x128xf32, #tpu.memory_space<hbm>> -> memref<128x128xf32, #tpu.memory_space<hbm>>
        %dma_wait3A_82 = arith.constant 0 : i32
        %dma_wait3A_83 = tpu.memref_slice %arg3[%add3A_59, %dma_wait3A_82] : memref<320000x128xf32, #tpu.memory_space<hbm>> -> memref<128x128xf32, #tpu.memory_space<hbm>>
        tpu.wait_dma2 semaphore(%arg15 : memref<!tpu.dma_semaphore, #tpu.memory_space<semaphore_mem>>) src(%dma_wait3A_83 : memref<128x128xf32, #tpu.memory_space<hbm>>) dst(%arg8 : memref<128x128xf32, #tpu.memory_space<vmem>>)
        "tpu.region"() ({
          %run_scoped3A = tpu.sem_alloc : memref<!tpu.dma_semaphore, #tpu.memory_space<semaphore_mem>>
          %dma_start3A_84 = arith.constant 0 : i32
          %dma_start3A_85 = arith.constant 0 : i32
          %dma_start3A_86 = tpu.memref_slice %arg16[%dma_start3A_84, %dma_start3A_85] : memref<10000x128xf32, #tpu.memory_space<vmem_shared>> -> memref<10000x128xf32, #tpu.memory_space<vmem_shared>>
          tpu.enqueue_indirect_dma source(%arg8 : memref<128x128xf32, #tpu.memory_space<vmem>>) target(%dma_start3A_86 : memref<10000x128xf32, #tpu.memory_space<vmem_shared>>) offsets(%arg9 : memref<128xi32, #tpu.memory_space<vmem>>) semaphore(%run_scoped3A : memref<!tpu.dma_semaphore, #tpu.memory_space<semaphore_mem>>) {add = true}
          %dma_wait3A_87 = arith.constant 0 : i32
          %dma_wait3A_88 = arith.constant 0 : i32
          %dma_wait3A_89 = tpu.memref_slice %arg16[%dma_wait3A_87, %dma_wait3A_88] : memref<10000x128xf32, #tpu.memory_space<vmem_shared>> -> memref<10000x128xf32, #tpu.memory_space<vmem_shared>>
          tpu.wait_indirect_dma semaphore(%run_scoped3A : memref<!tpu.dma_semaphore, #tpu.memory_space<semaphore_mem>>) src(%arg8 : memref<128x128xf32, #tpu.memory_space<vmem>>) dst(%dma_wait3A_89 : memref<10000x128xf32, #tpu.memory_space<vmem_shared>>)
          tpu.yield
        }) : () -> ()
      }
      %scan3A_39 = arith.constant 78 : i32
      %add3A_40 = arith.constant 19968 : i32
      %add3A_41 = arith.addi %mul3A_3, %add3A_40 : i32
      %dma_start3A = tpu.memref_slice %arg4[%add3A_41] : memref<320000xi32, #tpu.memory_space<hbm>> -> memref<32xi32, #tpu.memory_space<hbm>>
      %dma_start3A_42 = tpu.memref_slice %arg4[%add3A_41] : memref<320000xi32, #tpu.memory_space<hbm>> -> memref<32xi32, #tpu.memory_space<hbm>>
      tpu.enqueue_dma source(%dma_start3A_42 : memref<32xi32, #tpu.memory_space<hbm>>) target(%arg11 : memref<32xi32, #tpu.memory_space<vmem>>) target_semaphore(%arg12 : memref<!tpu.dma_semaphore, #tpu.memory_space<semaphore_mem>>)
      %dma_start3A_43 = arith.constant 0 : i32
      %dma_start3A_44 = tpu.memref_slice %arg3[%add3A_41, %dma_start3A_43] : memref<320000x128xf32, #tpu.memory_space<hbm>> -> memref<32x128xf32, #tpu.memory_space<hbm>>
      %dma_start3A_45 = arith.constant 0 : i32
      %dma_start3A_46 = tpu.memref_slice %arg3[%add3A_41, %dma_start3A_45] : memref<320000x128xf32, #tpu.memory_space<hbm>> -> memref<32x128xf32, #tpu.memory_space<hbm>>
      tpu.enqueue_dma source(%dma_start3A_46 : memref<32x128xf32, #tpu.memory_space<hbm>>) target(%arg10 : memref<32x128xf32, #tpu.memory_space<vmem>>) target_semaphore(%arg13 : memref<!tpu.dma_semaphore, #tpu.memory_space<semaphore_mem>>)
      %dma_wait3A = tpu.memref_slice %arg4[%add3A_41] : memref<320000xi32, #tpu.memory_space<hbm>> -> memref<32xi32, #tpu.memory_space<hbm>>
      %dma_wait3A_47 = tpu.memref_slice %arg4[%add3A_41] : memref<320000xi32, #tpu.memory_space<hbm>> -> memref<32xi32, #tpu.memory_space<hbm>>
      tpu.wait_dma2 semaphore(%arg12 : memref<!tpu.dma_semaphore, #tpu.memory_space<semaphore_mem>>) src(%dma_wait3A_47 : memref<32xi32, #tpu.memory_space<hbm>>) dst(%arg11 : memref<32xi32, #tpu.memory_space<vmem>>)
      %dma_wait3A_48 = arith.constant 0 : i32
      %dma_wait3A_49 = tpu.memref_slice %arg3[%add3A_41, %dma_wait3A_48] : memref<320000x128xf32, #tpu.memory_space<hbm>> -> memref<32x128xf32, #tpu.memory_space<hbm>>
      %dma_wait3A_50 = arith.constant 0 : i32
      %dma_wait3A_51 = tpu.memref_slice %arg3[%add3A_41, %dma_wait3A_50] : memref<320000x128xf32, #tpu.memory_space<hbm>> -> memref<32x128xf32, #tpu.memory_space<hbm>>
      tpu.wait_dma2 semaphore(%arg13 : memref<!tpu.dma_semaphore, #tpu.memory_space<semaphore_mem>>) src(%dma_wait3A_51 : memref<32x128xf32, #tpu.memory_space<hbm>>) dst(%arg10 : memref<32x128xf32, #tpu.memory_space<vmem>>)
      "tpu.region"() ({
        %run_scoped3A = tpu.sem_alloc : memref<!tpu.dma_semaphore, #tpu.memory_space<semaphore_mem>>
        %dma_start3A_52 = arith.constant 0 : i32
        %dma_start3A_53 = arith.constant 0 : i32
        %dma_start3A_54 = tpu.memref_slice %arg16[%dma_start3A_52, %dma_start3A_53] : memref<10000x128xf32, #tpu.memory_space<vmem_shared>> -> memref<10000x128xf32, #tpu.memory_space<vmem_shared>>
        tpu.enqueue_indirect_dma source(%arg10 : memref<32x128xf32, #tpu.memory_space<vmem>>) target(%dma_start3A_54 : memref<10000x128xf32, #tpu.memory_space<vmem_shared>>) offsets(%arg11 : memref<32xi32, #tpu.memory_space<vmem>>) semaphore(%run_scoped3A : memref<!tpu.dma_semaphore, #tpu.memory_space<semaphore_mem>>) {add = true}
        %dma_wait3A_55 = arith.constant 0 : i32
        %dma_wait3A_56 = arith.constant 0 : i32
        %dma_wait3A_57 = tpu.memref_slice %arg16[%dma_wait3A_55, %dma_wait3A_56] : memref<10000x128xf32, #tpu.memory_space<vmem_shared>> -> memref<10000x128xf32, #tpu.memory_space<vmem_shared>>
        tpu.wait_indirect_dma semaphore(%run_scoped3A : memref<!tpu.dma_semaphore, #tpu.memory_space<semaphore_mem>>) src(%arg10 : memref<32x128xf32, #tpu.memory_space<vmem>>) dst(%dma_wait3A_57 : memref<10000x128xf32, #tpu.memory_space<vmem_shared>>)
        tpu.yield
      }) : () -> ()
    } else {
    }
    %barrier3A_30 = arith.constant 0 : index
    tpu.barrier barrier_id(%barrier3A_30)
    "tpu.region"() ({
      %run_scoped3A = tpu.sem_alloc : memref<!tpu.dma_semaphore, #tpu.memory_space<semaphore_mem>>
      %dma_start3A = arith.constant 0 : i32
      %dma_start3A_34 = tpu.memref_slice %arg5[%arg0, %mul3A_0, %dma_start3A] : memref<2x10000x128xf32, #tpu.memory_space<hbm>> -> memref<1x624x128xf32, #tpu.memory_space<hbm>>
      %dma_start3A_35 = tpu.memref_squeeze %dma_start3A_34 : memref<1x624x128xf32, #tpu.memory_space<hbm>> -> memref<624x128xf32, #tpu.memory_space<hbm>>
      %dma_start3A_36 = arith.constant 0 : i32
      %dma_start3A_37 = tpu.memref_slice %arg16[%mul3A_0, %dma_start3A_36] : memref<10000x128xf32, #tpu.memory_space<vmem_shared>> -> memref<624x128xf32, #tpu.memory_space<vmem_shared>>
      tpu.enqueue_dma source(%dma_start3A_37 : memref<624x128xf32, #tpu.memory_space<vmem_shared>>) target(%dma_start3A_35 : memref<624x128xf32, #tpu.memory_space<hbm>>) target_semaphore(%run_scoped3A : memref<!tpu.dma_semaphore, #tpu.memory_space<semaphore_mem>>)
      %dma_wait3A = arith.constant 0 : i32
      %dma_wait3A_38 = tpu.memref_slice %arg5[%arg0, %mul3A_0, %dma_wait3A] : memref<2x10000x128xf32, #tpu.memory_space<hbm>> -> memref<1x624x128xf32, #tpu.memory_space<hbm>>
      %dma_wait3A_39 = tpu.memref_squeeze %dma_wait3A_38 : memref<1x624x128xf32, #tpu.memory_space<hbm>> -> memref<624x128xf32, #tpu.memory_space<hbm>>
      %dma_wait3A_40 = arith.constant 0 : i32
      %dma_wait3A_41 = tpu.memref_slice %arg16[%mul3A_0, %dma_wait3A_40] : memref<10000x128xf32, #tpu.memory_space<vmem_shared>> -> memref<624x128xf32, #tpu.memory_space<vmem_shared>>
      tpu.wait_dma2 semaphore(%run_scoped3A : memref<!tpu.dma_semaphore, #tpu.memory_space<semaphore_mem>>) src(%dma_wait3A_41 : memref<624x128xf32, #tpu.memory_space<vmem_shared>>) dst(%dma_wait3A_39 : memref<624x128xf32, #tpu.memory_space<hbm>>)
      tpu.yield
    }) : () -> ()
    %convert_element_type3A_31 = arith.extui %eq3A_1 : i1 to i32
    %cond3A_32 = arith.constant 0 : i32
    %cond3A_33 = arith.cmpi ne, %convert_element_type3A_31, %cond3A_32 : i32
    scf.if %cond3A_33 {
      "tpu.region"() ({
        %run_scoped3A = tpu.sem_alloc : memref<!tpu.dma_semaphore, #tpu.memory_space<semaphore_mem>>
        %dma_start3A = arith.constant 9984 : i32
        %dma_start3A_34 = arith.constant 0 : i32
        %dma_start3A_35 = tpu.memref_slice %arg5[%arg0, %dma_start3A, %dma_start3A_34] : memref<2x10000x128xf32, #tpu.memory_space<hbm>> -> memref<1x16x128xf32, #tpu.memory_space<hbm>>
        %dma_start3A_36 = tpu.memref_squeeze %dma_start3A_35 : memref<1x16x128xf32, #tpu.memory_space<hbm>> -> memref<16x128xf32, #tpu.memory_space<hbm>>
        %dma_start3A_37 = arith.constant 9984 : i32
        %dma_start3A_38 = arith.constant 0 : i32
        %dma_start3A_39 = tpu.memref_slice %arg16[%dma_start3A_37, %dma_start3A_38] : memref<10000x128xf32, #tpu.memory_space<vmem_shared>> -> memref<16x128xf32, #tpu.memory_space<vmem_shared>>
        tpu.enqueue_dma source(%dma_start3A_39 : memref<16x128xf32, #tpu.memory_space<vmem_shared>>) target(%dma_start3A_36 : memref<16x128xf32, #tpu.memory_space<hbm>>) target_semaphore(%run_scoped3A : memref<!tpu.dma_semaphore, #tpu.memory_space<semaphore_mem>>)
        %dma_wait3A = arith.constant 9984 : i32
        %dma_wait3A_40 = arith.constant 0 : i32
        %dma_wait3A_41 = tpu.memref_slice %arg5[%arg0, %dma_wait3A, %dma_wait3A_40] : memref<2x10000x128xf32, #tpu.memory_space<hbm>> -> memref<1x16x128xf32, #tpu.memory_space<hbm>>
        %dma_wait3A_42 = tpu.memref_squeeze %dma_wait3A_41 : memref<1x16x128xf32, #tpu.memory_space<hbm>> -> memref<16x128xf32, #tpu.memory_space<hbm>>
        %dma_wait3A_43 = arith.constant 9984 : i32
        %dma_wait3A_44 = arith.constant 0 : i32
        %dma_wait3A_45 = tpu.memref_slice %arg16[%dma_wait3A_43, %dma_wait3A_44] : memref<10000x128xf32, #tpu.memory_space<vmem_shared>> -> memref<16x128xf32, #tpu.memory_space<vmem_shared>>
        tpu.wait_dma2 semaphore(%run_scoped3A : memref<!tpu.dma_semaphore, #tpu.memory_space<semaphore_mem>>) src(%dma_wait3A_45 : memref<16x128xf32, #tpu.memory_space<vmem_shared>>) dst(%dma_wait3A_42 : memref<16x128xf32, #tpu.memory_space<hbm>>)
        tpu.yield
      }) : () -> ()
    } else {
    }
    return
  }
}

#map = affine_map<(d0, d1) -> (0, 0)>
#map1 = affine_map<(d0, d1) -> (0)>
module attributes {stable_mosaic.version = 14 : i64} {
  func.func @_sc_gather_body(%arg0: i32, %arg1: i32, %arg2: memref<10000x128xf32, #tpu.memory_space<hbm>>, %arg3: memref<10000x128xf32, #tpu.memory_space<hbm>>, %arg4: memref<10000x128xf32, #tpu.memory_space<hbm>>, %arg5: memref<320000xi32, #tpu.memory_space<hbm>>, %arg6: memref<320000xi32, #tpu.memory_space<hbm>>, %arg7: memref<320000x128xf32, #tpu.memory_space<hbm>>, %arg8: memref<320000x128xf32, #tpu.memory_space<hbm>>, %arg9: memref<320000x128xf32, #tpu.memory_space<hbm>>, %arg10: memref<128x128xf32, #tpu.memory_space<vmem>>, %arg11: memref<128x128xf32, #tpu.memory_space<vmem>>, %arg12: memref<128x128xf32, #tpu.memory_space<vmem>>, %arg13: memref<128xi32, #tpu.memory_space<vmem>>, %arg14: memref<128xi32, #tpu.memory_space<vmem>>, %arg15: memref<128x128xf32, #tpu.memory_space<vmem>>, %arg16: memref<128x128xf32, #tpu.memory_space<vmem>>, %arg17: memref<128x128xf32, #tpu.memory_space<vmem>>, %arg18: memref<128xi32, #tpu.memory_space<vmem>>, %arg19: memref<128xi32, #tpu.memory_space<vmem>>, %arg20: memref<16x128xf32, #tpu.memory_space<vmem>>, %arg21: memref<16x128xf32, #tpu.memory_space<vmem>>, %arg22: memref<16x128xf32, #tpu.memory_space<vmem>>, %arg23: memref<16xi32, #tpu.memory_space<vmem>>, %arg24: memref<16xi32, #tpu.memory_space<vmem>>, %arg25: memref<!tpu.dma_semaphore, #tpu.memory_space<semaphore_mem>>, %arg26: memref<!tpu.dma_semaphore, #tpu.memory_space<semaphore_mem>>, %arg27: memref<!tpu.dma_semaphore, #tpu.memory_space<semaphore_mem>>, %arg28: memref<!tpu.dma_semaphore, #tpu.memory_space<semaphore_mem>>, %arg29: memref<!tpu.dma_semaphore, #tpu.memory_space<semaphore_mem>>, %arg30: memref<!tpu.dma_semaphore, #tpu.memory_space<semaphore_mem>>) attributes {dimension_semantics = [#tpu.dimension_semantics<core_parallel>, #tpu.dimension_semantics<subcore_parallel>], iteration_bounds = array<i64: 2, 16>, scalar_prefetch = 0 : i64, scratch_operands = 21 : i64, tpu.core_type = #tpu.core_type<sc_vector_subcore>, window_params = [{transform_indices = #map}, {transform_indices = #map}, {transform_indices = #map}, {transform_indices = #map1}, {transform_indices = #map1}, {transform_indices = #map}, {transform_indices = #map}, {transform_indices = #map}]} {
    %mul3A = arith.constant 2 : i32
    %mul3A_0 = arith.muli %arg1, %mul3A : i32
    %add3A = arith.addi %mul3A_0, %arg0 : i32
    %mul3A_1 = arith.constant 10000 : i32
    %mul3A_2 = arith.muli %add3A, %mul3A_1 : i32
    %scan3A = arith.constant 0 : i32
    %scan3A_3 = arith.constant 0 : i32
    %scan3A_4 = arith.constant 39 : i32
    %scan3A_5 = arith.addi %scan3A_3, %scan3A_4 : i32
    %scan3A_6 = arith.constant 1 : i32
    scf.for %scan3A_34 = %scan3A_3 to %scan3A_5 step %scan3A_6  : i32 {
      %mul3A_35 = arith.constant 2 : i32
      %mul3A_36 = arith.muli %mul3A_35, %scan3A_34 : i32
      %mul3A_37 = arith.constant 128 : i32
      %mul3A_38 = arith.muli %mul3A_36, %mul3A_37 : i32
      %add3A_39 = arith.addi %mul3A_2, %mul3A_38 : i32
      %add3A_40 = arith.constant 128 : i32
      %add3A_41 = arith.addi %add3A_39, %add3A_40 : i32
      %dma_start3A_42 = tpu.memref_slice %arg5[%add3A_39] : memref<320000xi32, #tpu.memory_space<hbm>> -> memref<128xi32, #tpu.memory_space<hbm>>
      %dma_start3A_43 = tpu.memref_slice %arg5[%add3A_39] : memref<320000xi32, #tpu.memory_space<hbm>> -> memref<128xi32, #tpu.memory_space<hbm>>
      tpu.enqueue_dma source(%dma_start3A_43 : memref<128xi32, #tpu.memory_space<hbm>>) target(%arg13 : memref<128xi32, #tpu.memory_space<vmem>>) target_semaphore(%arg25 : memref<!tpu.dma_semaphore, #tpu.memory_space<semaphore_mem>>)
      %dma_start3A_44 = tpu.memref_slice %arg6[%add3A_39] : memref<320000xi32, #tpu.memory_space<hbm>> -> memref<128xi32, #tpu.memory_space<hbm>>
      %dma_start3A_45 = tpu.memref_slice %arg6[%add3A_39] : memref<320000xi32, #tpu.memory_space<hbm>> -> memref<128xi32, #tpu.memory_space<hbm>>
      tpu.enqueue_dma source(%dma_start3A_45 : memref<128xi32, #tpu.memory_space<hbm>>) target(%arg14 : memref<128xi32, #tpu.memory_space<vmem>>) target_semaphore(%arg26 : memref<!tpu.dma_semaphore, #tpu.memory_space<semaphore_mem>>)
      %dma_start3A_46 = tpu.memref_slice %arg5[%add3A_41] : memref<320000xi32, #tpu.memory_space<hbm>> -> memref<128xi32, #tpu.memory_space<hbm>>
      %dma_start3A_47 = tpu.memref_slice %arg5[%add3A_41] : memref<320000xi32, #tpu.memory_space<hbm>> -> memref<128xi32, #tpu.memory_space<hbm>>
      tpu.enqueue_dma source(%dma_start3A_47 : memref<128xi32, #tpu.memory_space<hbm>>) target(%arg18 : memref<128xi32, #tpu.memory_space<vmem>>) target_semaphore(%arg28 : memref<!tpu.dma_semaphore, #tpu.memory_space<semaphore_mem>>)
      %dma_start3A_48 = tpu.memref_slice %arg6[%add3A_41] : memref<320000xi32, #tpu.memory_space<hbm>> -> memref<128xi32, #tpu.memory_space<hbm>>
      %dma_start3A_49 = tpu.memref_slice %arg6[%add3A_41] : memref<320000xi32, #tpu.memory_space<hbm>> -> memref<128xi32, #tpu.memory_space<hbm>>
      tpu.enqueue_dma source(%dma_start3A_49 : memref<128xi32, #tpu.memory_space<hbm>>) target(%arg19 : memref<128xi32, #tpu.memory_space<vmem>>) target_semaphore(%arg29 : memref<!tpu.dma_semaphore, #tpu.memory_space<semaphore_mem>>)
      %dma_wait3A_50 = tpu.memref_slice %arg5[%add3A_39] : memref<320000xi32, #tpu.memory_space<hbm>> -> memref<128xi32, #tpu.memory_space<hbm>>
      %dma_wait3A_51 = tpu.memref_slice %arg5[%add3A_39] : memref<320000xi32, #tpu.memory_space<hbm>> -> memref<128xi32, #tpu.memory_space<hbm>>
      tpu.wait_dma2 semaphore(%arg25 : memref<!tpu.dma_semaphore, #tpu.memory_space<semaphore_mem>>) src(%dma_wait3A_51 : memref<128xi32, #tpu.memory_space<hbm>>) dst(%arg13 : memref<128xi32, #tpu.memory_space<vmem>>)
      %dma_wait3A_52 = tpu.memref_slice %arg6[%add3A_39] : memref<320000xi32, #tpu.memory_space<hbm>> -> memref<128xi32, #tpu.memory_space<hbm>>
      %dma_wait3A_53 = tpu.memref_slice %arg6[%add3A_39] : memref<320000xi32, #tpu.memory_space<hbm>> -> memref<128xi32, #tpu.memory_space<hbm>>
      tpu.wait_dma2 semaphore(%arg26 : memref<!tpu.dma_semaphore, #tpu.memory_space<semaphore_mem>>) src(%dma_wait3A_53 : memref<128xi32, #tpu.memory_space<hbm>>) dst(%arg14 : memref<128xi32, #tpu.memory_space<vmem>>)
      %dma_start3A_54 = arith.constant 0 : i32
      %dma_start3A_55 = arith.constant 0 : i32
      %dma_start3A_56 = tpu.memref_slice %arg2[%dma_start3A_54, %dma_start3A_55] : memref<10000x128xf32, #tpu.memory_space<hbm>> -> memref<10000x128xf32, #tpu.memory_space<hbm>>
      tpu.enqueue_indirect_dma source(%dma_start3A_56 : memref<10000x128xf32, #tpu.memory_space<hbm>>) target(%arg10 : memref<128x128xf32, #tpu.memory_space<vmem>>) offsets(%arg13 : memref<128xi32, #tpu.memory_space<vmem>>) semaphore(%arg25 : memref<!tpu.dma_semaphore, #tpu.memory_space<semaphore_mem>>)
      %dma_start3A_57 = arith.constant 0 : i32
      %dma_start3A_58 = arith.constant 0 : i32
      %dma_start3A_59 = tpu.memref_slice %arg3[%dma_start3A_57, %dma_start3A_58] : memref<10000x128xf32, #tpu.memory_space<hbm>> -> memref<10000x128xf32, #tpu.memory_space<hbm>>
      tpu.enqueue_indirect_dma source(%dma_start3A_59 : memref<10000x128xf32, #tpu.memory_space<hbm>>) target(%arg11 : memref<128x128xf32, #tpu.memory_space<vmem>>) offsets(%arg14 : memref<128xi32, #tpu.memory_space<vmem>>) semaphore(%arg26 : memref<!tpu.dma_semaphore, #tpu.memory_space<semaphore_mem>>)
      %dma_start3A_60 = arith.constant 0 : i32
      %dma_start3A_61 = arith.constant 0 : i32
      %dma_start3A_62 = tpu.memref_slice %arg4[%dma_start3A_60, %dma_start3A_61] : memref<10000x128xf32, #tpu.memory_space<hbm>> -> memref<10000x128xf32, #tpu.memory_space<hbm>>
      tpu.enqueue_indirect_dma source(%dma_start3A_62 : memref<10000x128xf32, #tpu.memory_space<hbm>>) target(%arg12 : memref<128x128xf32, #tpu.memory_space<vmem>>) offsets(%arg14 : memref<128xi32, #tpu.memory_space<vmem>>) semaphore(%arg27 : memref<!tpu.dma_semaphore, #tpu.memory_space<semaphore_mem>>)
      %dma_wait3A_63 = tpu.memref_slice %arg5[%add3A_41] : memref<320000xi32, #tpu.memory_space<hbm>> -> memref<128xi32, #tpu.memory_space<hbm>>
      %dma_wait3A_64 = tpu.memref_slice %arg5[%add3A_41] : memref<320000xi32, #tpu.memory_space<hbm>> -> memref<128xi32, #tpu.memory_space<hbm>>
      tpu.wait_dma2 semaphore(%arg28 : memref<!tpu.dma_semaphore, #tpu.memory_space<semaphore_mem>>) src(%dma_wait3A_64 : memref<128xi32, #tpu.memory_space<hbm>>) dst(%arg18 : memref<128xi32, #tpu.memory_space<vmem>>)
      %dma_wait3A_65 = tpu.memref_slice %arg6[%add3A_41] : memref<320000xi32, #tpu.memory_space<hbm>> -> memref<128xi32, #tpu.memory_space<hbm>>
      %dma_wait3A_66 = tpu.memref_slice %arg6[%add3A_41] : memref<320000xi32, #tpu.memory_space<hbm>> -> memref<128xi32, #tpu.memory_space<hbm>>
      tpu.wait_dma2 semaphore(%arg29 : memref<!tpu.dma_semaphore, #tpu.memory_space<semaphore_mem>>) src(%dma_wait3A_66 : memref<128xi32, #tpu.memory_space<hbm>>) dst(%arg19 : memref<128xi32, #tpu.memory_space<vmem>>)
      %dma_start3A_67 = arith.constant 0 : i32
      %dma_start3A_68 = arith.constant 0 : i32
      %dma_start3A_69 = tpu.memref_slice %arg2[%dma_start3A_67, %dma_start3A_68] : memref<10000x128xf32, #tpu.memory_space<hbm>> -> memref<10000x128xf32, #tpu.memory_space<hbm>>
      tpu.enqueue_indirect_dma source(%dma_start3A_69 : memref<10000x128xf32, #tpu.memory_space<hbm>>) target(%arg15 : memref<128x128xf32, #tpu.memory_space<vmem>>) offsets(%arg18 : memref<128xi32, #tpu.memory_space<vmem>>) semaphore(%arg28 : memref<!tpu.dma_semaphore, #tpu.memory_space<semaphore_mem>>)
      %dma_start3A_70 = arith.constant 0 : i32
      %dma_start3A_71 = arith.constant 0 : i32
      %dma_start3A_72 = tpu.memref_slice %arg3[%dma_start3A_70, %dma_start3A_71] : memref<10000x128xf32, #tpu.memory_space<hbm>> -> memref<10000x128xf32, #tpu.memory_space<hbm>>
      tpu.enqueue_indirect_dma source(%dma_start3A_72 : memref<10000x128xf32, #tpu.memory_space<hbm>>) target(%arg16 : memref<128x128xf32, #tpu.memory_space<vmem>>) offsets(%arg19 : memref<128xi32, #tpu.memory_space<vmem>>) semaphore(%arg29 : memref<!tpu.dma_semaphore, #tpu.memory_space<semaphore_mem>>)
      %dma_start3A_73 = arith.constant 0 : i32
      %dma_start3A_74 = arith.constant 0 : i32
      %dma_start3A_75 = tpu.memref_slice %arg4[%dma_start3A_73, %dma_start3A_74] : memref<10000x128xf32, #tpu.memory_space<hbm>> -> memref<10000x128xf32, #tpu.memory_space<hbm>>
      tpu.enqueue_indirect_dma source(%dma_start3A_75 : memref<10000x128xf32, #tpu.memory_space<hbm>>) target(%arg17 : memref<128x128xf32, #tpu.memory_space<vmem>>) offsets(%arg19 : memref<128xi32, #tpu.memory_space<vmem>>) semaphore(%arg30 : memref<!tpu.dma_semaphore, #tpu.memory_space<semaphore_mem>>)
      %dma_wait3A_76 = arith.constant 0 : i32
      %dma_wait3A_77 = arith.constant 0 : i32
      %dma_wait3A_78 = tpu.memref_slice %arg2[%dma_wait3A_76, %dma_wait3A_77] : memref<10000x128xf32, #tpu.memory_space<hbm>> -> memref<10000x128xf32, #tpu.memory_space<hbm>>
      tpu.wait_indirect_dma semaphore(%arg25 : memref<!tpu.dma_semaphore, #tpu.memory_space<semaphore_mem>>) src(%dma_wait3A_78 : memref<10000x128xf32, #tpu.memory_space<hbm>>) dst(%arg10 : memref<128x128xf32, #tpu.memory_space<vmem>>)
      %dma_wait3A_79 = arith.constant 0 : i32
      %dma_wait3A_80 = arith.constant 0 : i32
      %dma_wait3A_81 = tpu.memref_slice %arg3[%dma_wait3A_79, %dma_wait3A_80] : memref<10000x128xf32, #tpu.memory_space<hbm>> -> memref<10000x128xf32, #tpu.memory_space<hbm>>
      tpu.wait_indirect_dma semaphore(%arg26 : memref<!tpu.dma_semaphore, #tpu.memory_space<semaphore_mem>>) src(%dma_wait3A_81 : memref<10000x128xf32, #tpu.memory_space<hbm>>) dst(%arg11 : memref<128x128xf32, #tpu.memory_space<vmem>>)
      %dma_wait3A_82 = arith.constant 0 : i32
      %dma_wait3A_83 = arith.constant 0 : i32
      %dma_wait3A_84 = tpu.memref_slice %arg4[%dma_wait3A_82, %dma_wait3A_83] : memref<10000x128xf32, #tpu.memory_space<hbm>> -> memref<10000x128xf32, #tpu.memory_space<hbm>>
      tpu.wait_indirect_dma semaphore(%arg27 : memref<!tpu.dma_semaphore, #tpu.memory_space<semaphore_mem>>) src(%dma_wait3A_84 : memref<10000x128xf32, #tpu.memory_space<hbm>>) dst(%arg12 : memref<128x128xf32, #tpu.memory_space<vmem>>)
      "tpu.region"() ({
        %run_scoped3A = tpu.sem_alloc : memref<!tpu.dma_semaphore, #tpu.memory_space<semaphore_mem>>
        %dma_start3A_94 = arith.constant 0 : i32
        %dma_start3A_95 = tpu.memref_slice %arg7[%add3A_39, %dma_start3A_94] : memref<320000x128xf32, #tpu.memory_space<hbm>> -> memref<128x128xf32, #tpu.memory_space<hbm>>
        %dma_start3A_96 = arith.constant 0 : i32
        %dma_start3A_97 = tpu.memref_slice %arg7[%add3A_39, %dma_start3A_96] : memref<320000x128xf32, #tpu.memory_space<hbm>> -> memref<128x128xf32, #tpu.memory_space<hbm>>
        tpu.enqueue_dma source(%arg10 : memref<128x128xf32, #tpu.memory_space<vmem>>) target(%dma_start3A_97 : memref<128x128xf32, #tpu.memory_space<hbm>>) target_semaphore(%run_scoped3A : memref<!tpu.dma_semaphore, #tpu.memory_space<semaphore_mem>>)
        %dma_wait3A_98 = arith.constant 0 : i32
        %dma_wait3A_99 = tpu.memref_slice %arg7[%add3A_39, %dma_wait3A_98] : memref<320000x128xf32, #tpu.memory_space<hbm>> -> memref<128x128xf32, #tpu.memory_space<hbm>>
        %dma_wait3A_100 = arith.constant 0 : i32
        %dma_wait3A_101 = tpu.memref_slice %arg7[%add3A_39, %dma_wait3A_100] : memref<320000x128xf32, #tpu.memory_space<hbm>> -> memref<128x128xf32, #tpu.memory_space<hbm>>
        tpu.wait_dma2 semaphore(%run_scoped3A : memref<!tpu.dma_semaphore, #tpu.memory_space<semaphore_mem>>) src(%arg10 : memref<128x128xf32, #tpu.memory_space<vmem>>) dst(%dma_wait3A_101 : memref<128x128xf32, #tpu.memory_space<hbm>>)
        tpu.yield
      }) : () -> ()
      "tpu.region"() ({
        %run_scoped3A = tpu.sem_alloc : memref<!tpu.dma_semaphore, #tpu.memory_space<semaphore_mem>>
        %dma_start3A_94 = arith.constant 0 : i32
        %dma_start3A_95 = tpu.memref_slice %arg8[%add3A_39, %dma_start3A_94] : memref<320000x128xf32, #tpu.memory_space<hbm>> -> memref<128x128xf32, #tpu.memory_space<hbm>>
        %dma_start3A_96 = arith.constant 0 : i32
        %dma_start3A_97 = tpu.memref_slice %arg8[%add3A_39, %dma_start3A_96] : memref<320000x128xf32, #tpu.memory_space<hbm>> -> memref<128x128xf32, #tpu.memory_space<hbm>>
        tpu.enqueue_dma source(%arg11 : memref<128x128xf32, #tpu.memory_space<vmem>>) target(%dma_start3A_97 : memref<128x128xf32, #tpu.memory_space<hbm>>) target_semaphore(%run_scoped3A : memref<!tpu.dma_semaphore, #tpu.memory_space<semaphore_mem>>)
        %dma_wait3A_98 = arith.constant 0 : i32
        %dma_wait3A_99 = tpu.memref_slice %arg8[%add3A_39, %dma_wait3A_98] : memref<320000x128xf32, #tpu.memory_space<hbm>> -> memref<128x128xf32, #tpu.memory_space<hbm>>
        %dma_wait3A_100 = arith.constant 0 : i32
        %dma_wait3A_101 = tpu.memref_slice %arg8[%add3A_39, %dma_wait3A_100] : memref<320000x128xf32, #tpu.memory_space<hbm>> -> memref<128x128xf32, #tpu.memory_space<hbm>>
        tpu.wait_dma2 semaphore(%run_scoped3A : memref<!tpu.dma_semaphore, #tpu.memory_space<semaphore_mem>>) src(%arg11 : memref<128x128xf32, #tpu.memory_space<vmem>>) dst(%dma_wait3A_101 : memref<128x128xf32, #tpu.memory_space<hbm>>)
        tpu.yield
      }) : () -> ()
      "tpu.region"() ({
        %run_scoped3A = tpu.sem_alloc : memref<!tpu.dma_semaphore, #tpu.memory_space<semaphore_mem>>
        %dma_start3A_94 = arith.constant 0 : i32
        %dma_start3A_95 = tpu.memref_slice %arg9[%add3A_39, %dma_start3A_94] : memref<320000x128xf32, #tpu.memory_space<hbm>> -> memref<128x128xf32, #tpu.memory_space<hbm>>
        %dma_start3A_96 = arith.constant 0 : i32
        %dma_start3A_97 = tpu.memref_slice %arg9[%add3A_39, %dma_start3A_96] : memref<320000x128xf32, #tpu.memory_space<hbm>> -> memref<128x128xf32, #tpu.memory_space<hbm>>
        tpu.enqueue_dma source(%arg12 : memref<128x128xf32, #tpu.memory_space<vmem>>) target(%dma_start3A_97 : memref<128x128xf32, #tpu.memory_space<hbm>>) target_semaphore(%run_scoped3A : memref<!tpu.dma_semaphore, #tpu.memory_space<semaphore_mem>>)
        %dma_wait3A_98 = arith.constant 0 : i32
        %dma_wait3A_99 = tpu.memref_slice %arg9[%add3A_39, %dma_wait3A_98] : memref<320000x128xf32, #tpu.memory_space<hbm>> -> memref<128x128xf32, #tpu.memory_space<hbm>>
        %dma_wait3A_100 = arith.constant 0 : i32
        %dma_wait3A_101 = tpu.memref_slice %arg9[%add3A_39, %dma_wait3A_100] : memref<320000x128xf32, #tpu.memory_space<hbm>> -> memref<128x128xf32, #tpu.memory_space<hbm>>
        tpu.wait_dma2 semaphore(%run_scoped3A : memref<!tpu.dma_semaphore, #tpu.memory_space<semaphore_mem>>) src(%arg12 : memref<128x128xf32, #tpu.memory_space<vmem>>) dst(%dma_wait3A_101 : memref<128x128xf32, #tpu.memory_space<hbm>>)
        tpu.yield
      }) : () -> ()
      %dma_wait3A_85 = arith.constant 0 : i32
      %dma_wait3A_86 = arith.constant 0 : i32
      %dma_wait3A_87 = tpu.memref_slice %arg2[%dma_wait3A_85, %dma_wait3A_86] : memref<10000x128xf32, #tpu.memory_space<hbm>> -> memref<10000x128xf32, #tpu.memory_space<hbm>>
      tpu.wait_indirect_dma semaphore(%arg28 : memref<!tpu.dma_semaphore, #tpu.memory_space<semaphore_mem>>) src(%dma_wait3A_87 : memref<10000x128xf32, #tpu.memory_space<hbm>>) dst(%arg15 : memref<128x128xf32, #tpu.memory_space<vmem>>)
      %dma_wait3A_88 = arith.constant 0 : i32
      %dma_wait3A_89 = arith.constant 0 : i32
      %dma_wait3A_90 = tpu.memref_slice %arg3[%dma_wait3A_88, %dma_wait3A_89] : memref<10000x128xf32, #tpu.memory_space<hbm>> -> memref<10000x128xf32, #tpu.memory_space<hbm>>
      tpu.wait_indirect_dma semaphore(%arg29 : memref<!tpu.dma_semaphore, #tpu.memory_space<semaphore_mem>>) src(%dma_wait3A_90 : memref<10000x128xf32, #tpu.memory_space<hbm>>) dst(%arg16 : memref<128x128xf32, #tpu.memory_space<vmem>>)
      %dma_wait3A_91 = arith.constant 0 : i32
      %dma_wait3A_92 = arith.constant 0 : i32
      %dma_wait3A_93 = tpu.memref_slice %arg4[%dma_wait3A_91, %dma_wait3A_92] : memref<10000x128xf32, #tpu.memory_space<hbm>> -> memref<10000x128xf32, #tpu.memory_space<hbm>>
      tpu.wait_indirect_dma semaphore(%arg30 : memref<!tpu.dma_semaphore, #tpu.memory_space<semaphore_mem>>) src(%dma_wait3A_93 : memref<10000x128xf32, #tpu.memory_space<hbm>>) dst(%arg17 : memref<128x128xf32, #tpu.memory_space<vmem>>)
      "tpu.region"() ({
        %run_scoped3A = tpu.sem_alloc : memref<!tpu.dma_semaphore, #tpu.memory_space<semaphore_mem>>
        %dma_start3A_94 = arith.constant 0 : i32
        %dma_start3A_95 = tpu.memref_slice %arg7[%add3A_41, %dma_start3A_94] : memref<320000x128xf32, #tpu.memory_space<hbm>> -> memref<128x128xf32, #tpu.memory_space<hbm>>
        %dma_start3A_96 = arith.constant 0 : i32
        %dma_start3A_97 = tpu.memref_slice %arg7[%add3A_41, %dma_start3A_96] : memref<320000x128xf32, #tpu.memory_space<hbm>> -> memref<128x128xf32, #tpu.memory_space<hbm>>
        tpu.enqueue_dma source(%arg15 : memref<128x128xf32, #tpu.memory_space<vmem>>) target(%dma_start3A_97 : memref<128x128xf32, #tpu.memory_space<hbm>>) target_semaphore(%run_scoped3A : memref<!tpu.dma_semaphore, #tpu.memory_space<semaphore_mem>>)
        %dma_wait3A_98 = arith.constant 0 : i32
        %dma_wait3A_99 = tpu.memref_slice %arg7[%add3A_41, %dma_wait3A_98] : memref<320000x128xf32, #tpu.memory_space<hbm>> -> memref<128x128xf32, #tpu.memory_space<hbm>>
        %dma_wait3A_100 = arith.constant 0 : i32
        %dma_wait3A_101 = tpu.memref_slice %arg7[%add3A_41, %dma_wait3A_100] : memref<320000x128xf32, #tpu.memory_space<hbm>> -> memref<128x128xf32, #tpu.memory_space<hbm>>
        tpu.wait_dma2 semaphore(%run_scoped3A : memref<!tpu.dma_semaphore, #tpu.memory_space<semaphore_mem>>) src(%arg15 : memref<128x128xf32, #tpu.memory_space<vmem>>) dst(%dma_wait3A_101 : memref<128x128xf32, #tpu.memory_space<hbm>>)
        tpu.yield
      }) : () -> ()
      "tpu.region"() ({
        %run_scoped3A = tpu.sem_alloc : memref<!tpu.dma_semaphore, #tpu.memory_space<semaphore_mem>>
        %dma_start3A_94 = arith.constant 0 : i32
        %dma_start3A_95 = tpu.memref_slice %arg8[%add3A_41, %dma_start3A_94] : memref<320000x128xf32, #tpu.memory_space<hbm>> -> memref<128x128xf32, #tpu.memory_space<hbm>>
        %dma_start3A_96 = arith.constant 0 : i32
        %dma_start3A_97 = tpu.memref_slice %arg8[%add3A_41, %dma_start3A_96] : memref<320000x128xf32, #tpu.memory_space<hbm>> -> memref<128x128xf32, #tpu.memory_space<hbm>>
        tpu.enqueue_dma source(%arg16 : memref<128x128xf32, #tpu.memory_space<vmem>>) target(%dma_start3A_97 : memref<128x128xf32, #tpu.memory_space<hbm>>) target_semaphore(%run_scoped3A : memref<!tpu.dma_semaphore, #tpu.memory_space<semaphore_mem>>)
        %dma_wait3A_98 = arith.constant 0 : i32
        %dma_wait3A_99 = tpu.memref_slice %arg8[%add3A_41, %dma_wait3A_98] : memref<320000x128xf32, #tpu.memory_space<hbm>> -> memref<128x128xf32, #tpu.memory_space<hbm>>
        %dma_wait3A_100 = arith.constant 0 : i32
        %dma_wait3A_101 = tpu.memref_slice %arg8[%add3A_41, %dma_wait3A_100] : memref<320000x128xf32, #tpu.memory_space<hbm>> -> memref<128x128xf32, #tpu.memory_space<hbm>>
        tpu.wait_dma2 semaphore(%run_scoped3A : memref<!tpu.dma_semaphore, #tpu.memory_space<semaphore_mem>>) src(%arg16 : memref<128x128xf32, #tpu.memory_space<vmem>>) dst(%dma_wait3A_101 : memref<128x128xf32, #tpu.memory_space<hbm>>)
        tpu.yield
      }) : () -> ()
      "tpu.region"() ({
        %run_scoped3A = tpu.sem_alloc : memref<!tpu.dma_semaphore, #tpu.memory_space<semaphore_mem>>
        %dma_start3A_94 = arith.constant 0 : i32
        %dma_start3A_95 = tpu.memref_slice %arg9[%add3A_41, %dma_start3A_94] : memref<320000x128xf32, #tpu.memory_space<hbm>> -> memref<128x128xf32, #tpu.memory_space<hbm>>
        %dma_start3A_96 = arith.constant 0 : i32
        %dma_start3A_97 = tpu.memref_slice %arg9[%add3A_41, %dma_start3A_96] : memref<320000x128xf32, #tpu.memory_space<hbm>> -> memref<128x128xf32, #tpu.memory_space<hbm>>
        tpu.enqueue_dma source(%arg17 : memref<128x128xf32, #tpu.memory_space<vmem>>) target(%dma_start3A_97 : memref<128x128xf32, #tpu.memory_space<hbm>>) target_semaphore(%run_scoped3A : memref<!tpu.dma_semaphore, #tpu.memory_space<semaphore_mem>>)
        %dma_wait3A_98 = arith.constant 0 : i32
        %dma_wait3A_99 = tpu.memref_slice %arg9[%add3A_41, %dma_wait3A_98] : memref<320000x128xf32, #tpu.memory_space<hbm>> -> memref<128x128xf32, #tpu.memory_space<hbm>>
        %dma_wait3A_100 = arith.constant 0 : i32
        %dma_wait3A_101 = tpu.memref_slice %arg9[%add3A_41, %dma_wait3A_100] : memref<320000x128xf32, #tpu.memory_space<hbm>> -> memref<128x128xf32, #tpu.memory_space<hbm>>
        tpu.wait_dma2 semaphore(%run_scoped3A : memref<!tpu.dma_semaphore, #tpu.memory_space<semaphore_mem>>) src(%arg17 : memref<128x128xf32, #tpu.memory_space<vmem>>) dst(%dma_wait3A_101 : memref<128x128xf32, #tpu.memory_space<hbm>>)
        tpu.yield
      }) : () -> ()
    }
    %scan3A_7 = arith.constant 39 : i32
    %add3A_8 = arith.constant 9984 : i32
    %add3A_9 = arith.addi %mul3A_2, %add3A_8 : i32
    %dma_start3A = tpu.memref_slice %arg5[%add3A_9] : memref<320000xi32, #tpu.memory_space<hbm>> -> memref<16xi32, #tpu.memory_space<hbm>>
    %dma_start3A_10 = tpu.memref_slice %arg5[%add3A_9] : memref<320000xi32, #tpu.memory_space<hbm>> -> memref<16xi32, #tpu.memory_space<hbm>>
    tpu.enqueue_dma source(%dma_start3A_10 : memref<16xi32, #tpu.memory_space<hbm>>) target(%arg23 : memref<16xi32, #tpu.memory_space<vmem>>) target_semaphore(%arg25 : memref<!tpu.dma_semaphore, #tpu.memory_space<semaphore_mem>>)
    %dma_start3A_11 = tpu.memref_slice %arg6[%add3A_9] : memref<320000xi32, #tpu.memory_space<hbm>> -> memref<16xi32, #tpu.memory_space<hbm>>
    %dma_start3A_12 = tpu.memref_slice %arg6[%add3A_9] : memref<320000xi32, #tpu.memory_space<hbm>> -> memref<16xi32, #tpu.memory_space<hbm>>
    tpu.enqueue_dma source(%dma_start3A_12 : memref<16xi32, #tpu.memory_space<hbm>>) target(%arg24 : memref<16xi32, #tpu.memory_space<vmem>>) target_semaphore(%arg26 : memref<!tpu.dma_semaphore, #tpu.memory_space<semaphore_mem>>)
    %dma_wait3A = tpu.memref_slice %arg5[%add3A_9] : memref<320000xi32, #tpu.memory_space<hbm>> -> memref<16xi32, #tpu.memory_space<hbm>>
    %dma_wait3A_13 = tpu.memref_slice %arg5[%add3A_9] : memref<320000xi32, #tpu.memory_space<hbm>> -> memref<16xi32, #tpu.memory_space<hbm>>
    tpu.wait_dma2 semaphore(%arg25 : memref<!tpu.dma_semaphore, #tpu.memory_space<semaphore_mem>>) src(%dma_wait3A_13 : memref<16xi32, #tpu.memory_space<hbm>>) dst(%arg23 : memref<16xi32, #tpu.memory_space<vmem>>)
    %dma_wait3A_14 = tpu.memref_slice %arg6[%add3A_9] : memref<320000xi32, #tpu.memory_space<hbm>> -> memref<16xi32, #tpu.memory_space<hbm>>
    %dma_wait3A_15 = tpu.memref_slice %arg6[%add3A_9] : memref<320000xi32, #tpu.memory_space<hbm>> -> memref<16xi32, #tpu.memory_space<hbm>>
    tpu.wait_dma2 semaphore(%arg26 : memref<!tpu.dma_semaphore, #tpu.memory_space<semaphore_mem>>) src(%dma_wait3A_15 : memref<16xi32, #tpu.memory_space<hbm>>) dst(%arg24 : memref<16xi32, #tpu.memory_space<vmem>>)
    %dma_start3A_16 = arith.constant 0 : i32
    %dma_start3A_17 = arith.constant 0 : i32
    %dma_start3A_18 = tpu.memref_slice %arg2[%dma_start3A_16, %dma_start3A_17] : memref<10000x128xf32, #tpu.memory_space<hbm>> -> memref<10000x128xf32, #tpu.memory_space<hbm>>
    tpu.enqueue_indirect_dma source(%dma_start3A_18 : memref<10000x128xf32, #tpu.memory_space<hbm>>) target(%arg20 : memref<16x128xf32, #tpu.memory_space<vmem>>) offsets(%arg23 : memref<16xi32, #tpu.memory_space<vmem>>) semaphore(%arg25 : memref<!tpu.dma_semaphore, #tpu.memory_space<semaphore_mem>>)
    %dma_start3A_19 = arith.constant 0 : i32
    %dma_start3A_20 = arith.constant 0 : i32
    %dma_start3A_21 = tpu.memref_slice %arg3[%dma_start3A_19, %dma_start3A_20] : memref<10000x128xf32, #tpu.memory_space<hbm>> -> memref<10000x128xf32, #tpu.memory_space<hbm>>
    tpu.enqueue_indirect_dma source(%dma_start3A_21 : memref<10000x128xf32, #tpu.memory_space<hbm>>) target(%arg21 : memref<16x128xf32, #tpu.memory_space<vmem>>) offsets(%arg24 : memref<16xi32, #tpu.memory_space<vmem>>) semaphore(%arg26 : memref<!tpu.dma_semaphore, #tpu.memory_space<semaphore_mem>>)
    %dma_start3A_22 = arith.constant 0 : i32
    %dma_start3A_23 = arith.constant 0 : i32
    %dma_start3A_24 = tpu.memref_slice %arg4[%dma_start3A_22, %dma_start3A_23] : memref<10000x128xf32, #tpu.memory_space<hbm>> -> memref<10000x128xf32, #tpu.memory_space<hbm>>
    tpu.enqueue_indirect_dma source(%dma_start3A_24 : memref<10000x128xf32, #tpu.memory_space<hbm>>) target(%arg22 : memref<16x128xf32, #tpu.memory_space<vmem>>) offsets(%arg24 : memref<16xi32, #tpu.memory_space<vmem>>) semaphore(%arg27 : memref<!tpu.dma_semaphore, #tpu.memory_space<semaphore_mem>>)
    %dma_wait3A_25 = arith.constant 0 : i32
    %dma_wait3A_26 = arith.constant 0 : i32
    %dma_wait3A_27 = tpu.memref_slice %arg2[%dma_wait3A_25, %dma_wait3A_26] : memref<10000x128xf32, #tpu.memory_space<hbm>> -> memref<10000x128xf32, #tpu.memory_space<hbm>>
    tpu.wait_indirect_dma semaphore(%arg25 : memref<!tpu.dma_semaphore, #tpu.memory_space<semaphore_mem>>) src(%dma_wait3A_27 : memref<10000x128xf32, #tpu.memory_space<hbm>>) dst(%arg20 : memref<16x128xf32, #tpu.memory_space<vmem>>)
    %dma_wait3A_28 = arith.constant 0 : i32
    %dma_wait3A_29 = arith.constant 0 : i32
    %dma_wait3A_30 = tpu.memref_slice %arg3[%dma_wait3A_28, %dma_wait3A_29] : memref<10000x128xf32, #tpu.memory_space<hbm>> -> memref<10000x128xf32, #tpu.memory_space<hbm>>
    tpu.wait_indirect_dma semaphore(%arg26 : memref<!tpu.dma_semaphore, #tpu.memory_space<semaphore_mem>>) src(%dma_wait3A_30 : memref<10000x128xf32, #tpu.memory_space<hbm>>) dst(%arg21 : memref<16x128xf32, #tpu.memory_space<vmem>>)
    %dma_wait3A_31 = arith.constant 0 : i32
    %dma_wait3A_32 = arith.constant 0 : i32
    %dma_wait3A_33 = tpu.memref_slice %arg4[%dma_wait3A_31, %dma_wait3A_32] : memref<10000x128xf32, #tpu.memory_space<hbm>> -> memref<10000x128xf32, #tpu.memory_space<hbm>>
    tpu.wait_indirect_dma semaphore(%arg27 : memref<!tpu.dma_semaphore, #tpu.memory_space<semaphore_mem>>) src(%dma_wait3A_33 : memref<10000x128xf32, #tpu.memory_space<hbm>>) dst(%arg22 : memref<16x128xf32, #tpu.memory_space<vmem>>)
    "tpu.region"() ({
      %run_scoped3A = tpu.sem_alloc : memref<!tpu.dma_semaphore, #tpu.memory_space<semaphore_mem>>
      %dma_start3A_34 = arith.constant 0 : i32
      %dma_start3A_35 = tpu.memref_slice %arg7[%add3A_9, %dma_start3A_34] : memref<320000x128xf32, #tpu.memory_space<hbm>> -> memref<16x128xf32, #tpu.memory_space<hbm>>
      %dma_start3A_36 = arith.constant 0 : i32
      %dma_start3A_37 = tpu.memref_slice %arg7[%add3A_9, %dma_start3A_36] : memref<320000x128xf32, #tpu.memory_space<hbm>> -> memref<16x128xf32, #tpu.memory_space<hbm>>
      tpu.enqueue_dma source(%arg20 : memref<16x128xf32, #tpu.memory_space<vmem>>) target(%dma_start3A_37 : memref<16x128xf32, #tpu.memory_space<hbm>>) target_semaphore(%run_scoped3A : memref<!tpu.dma_semaphore, #tpu.memory_space<semaphore_mem>>)
      %dma_wait3A_38 = arith.constant 0 : i32
      %dma_wait3A_39 = tpu.memref_slice %arg7[%add3A_9, %dma_wait3A_38] : memref<320000x128xf32, #tpu.memory_space<hbm>> -> memref<16x128xf32, #tpu.memory_space<hbm>>
      %dma_wait3A_40 = arith.constant 0 : i32
      %dma_wait3A_41 = tpu.memref_slice %arg7[%add3A_9, %dma_wait3A_40] : memref<320000x128xf32, #tpu.memory_space<hbm>> -> memref<16x128xf32, #tpu.memory_space<hbm>>
      tpu.wait_dma2 semaphore(%run_scoped3A : memref<!tpu.dma_semaphore, #tpu.memory_space<semaphore_mem>>) src(%arg20 : memref<16x128xf32, #tpu.memory_space<vmem>>) dst(%dma_wait3A_41 : memref<16x128xf32, #tpu.memory_space<hbm>>)
      tpu.yield
    }) : () -> ()
    "tpu.region"() ({
      %run_scoped3A = tpu.sem_alloc : memref<!tpu.dma_semaphore, #tpu.memory_space<semaphore_mem>>
      %dma_start3A_34 = arith.constant 0 : i32
      %dma_start3A_35 = tpu.memref_slice %arg8[%add3A_9, %dma_start3A_34] : memref<320000x128xf32, #tpu.memory_space<hbm>> -> memref<16x128xf32, #tpu.memory_space<hbm>>
      %dma_start3A_36 = arith.constant 0 : i32
      %dma_start3A_37 = tpu.memref_slice %arg8[%add3A_9, %dma_start3A_36] : memref<320000x128xf32, #tpu.memory_space<hbm>> -> memref<16x128xf32, #tpu.memory_space<hbm>>
      tpu.enqueue_dma source(%arg21 : memref<16x128xf32, #tpu.memory_space<vmem>>) target(%dma_start3A_37 : memref<16x128xf32, #tpu.memory_space<hbm>>) target_semaphore(%run_scoped3A : memref<!tpu.dma_semaphore, #tpu.memory_space<semaphore_mem>>)
      %dma_wait3A_38 = arith.constant 0 : i32
      %dma_wait3A_39 = tpu.memref_slice %arg8[%add3A_9, %dma_wait3A_38] : memref<320000x128xf32, #tpu.memory_space<hbm>> -> memref<16x128xf32, #tpu.memory_space<hbm>>
      %dma_wait3A_40 = arith.constant 0 : i32
      %dma_wait3A_41 = tpu.memref_slice %arg8[%add3A_9, %dma_wait3A_40] : memref<320000x128xf32, #tpu.memory_space<hbm>> -> memref<16x128xf32, #tpu.memory_space<hbm>>
      tpu.wait_dma2 semaphore(%run_scoped3A : memref<!tpu.dma_semaphore, #tpu.memory_space<semaphore_mem>>) src(%arg21 : memref<16x128xf32, #tpu.memory_space<vmem>>) dst(%dma_wait3A_41 : memref<16x128xf32, #tpu.memory_space<hbm>>)
      tpu.yield
    }) : () -> ()
    "tpu.region"() ({
      %run_scoped3A = tpu.sem_alloc : memref<!tpu.dma_semaphore, #tpu.memory_space<semaphore_mem>>
      %dma_start3A_34 = arith.constant 0 : i32
      %dma_start3A_35 = tpu.memref_slice %arg9[%add3A_9, %dma_start3A_34] : memref<320000x128xf32, #tpu.memory_space<hbm>> -> memref<16x128xf32, #tpu.memory_space<hbm>>
      %dma_start3A_36 = arith.constant 0 : i32
      %dma_start3A_37 = tpu.memref_slice %arg9[%add3A_9, %dma_start3A_36] : memref<320000x128xf32, #tpu.memory_space<hbm>> -> memref<16x128xf32, #tpu.memory_space<hbm>>
      tpu.enqueue_dma source(%arg22 : memref<16x128xf32, #tpu.memory_space<vmem>>) target(%dma_start3A_37 : memref<16x128xf32, #tpu.memory_space<hbm>>) target_semaphore(%run_scoped3A : memref<!tpu.dma_semaphore, #tpu.memory_space<semaphore_mem>>)
      %dma_wait3A_38 = arith.constant 0 : i32
      %dma_wait3A_39 = tpu.memref_slice %arg9[%add3A_9, %dma_wait3A_38] : memref<320000x128xf32, #tpu.memory_space<hbm>> -> memref<16x128xf32, #tpu.memory_space<hbm>>
      %dma_wait3A_40 = arith.constant 0 : i32
      %dma_wait3A_41 = tpu.memref_slice %arg9[%add3A_9, %dma_wait3A_40] : memref<320000x128xf32, #tpu.memory_space<hbm>> -> memref<16x128xf32, #tpu.memory_space<hbm>>
      tpu.wait_dma2 semaphore(%run_scoped3A : memref<!tpu.dma_semaphore, #tpu.memory_space<semaphore_mem>>) src(%arg22 : memref<16x128xf32, #tpu.memory_space<vmem>>) dst(%dma_wait3A_41 : memref<16x128xf32, #tpu.memory_space<hbm>>)
      tpu.yield
    }) : () -> ()
    return
  }
}

module attributes {stable_mosaic.version = 14 : i64} {
  func.func @_qkv_body(%arg0: i32, %arg1: memref<1000x128xf32, #tpu.memory_space<vmem>>, %arg2: memref<128x128xf32, #tpu.memory_space<vmem>>, %arg3: memref<1x128xf32, #tpu.memory_space<vmem>>, %arg4: memref<128x128xf32, #tpu.memory_space<vmem>>, %arg5: memref<1x128xf32, #tpu.memory_space<vmem>>, %arg6: memref<128x128xf32, #tpu.memory_space<vmem>>, %arg7: memref<1x128xf32, #tpu.memory_space<vmem>>, %arg8: memref<1000x128xf32, #tpu.memory_space<vmem>>, %arg9: memref<1000x128xf32, #tpu.memory_space<vmem>>, %arg10: memref<1000x128xf32, #tpu.memory_space<vmem>>) attributes {dimension_semantics = [#tpu.dimension_semantics<arbitrary>], iteration_bounds = array<i64: 10>, scalar_prefetch = 0 : i64, scratch_operands = 0 : i64, tpu.core_type = #tpu.core_type<tc>, window_params = [{transform_indices = @transform_0, window_bounds = array<i64: 1000, 128>}, {pipeline_mode = #tpu.pipeline_mode<synchronous>, transform_indices = @transform_1, window_bounds = array<i64: 128, 128>}, {pipeline_mode = #tpu.pipeline_mode<synchronous>, transform_indices = @transform_2, window_bounds = array<i64: 1, 128>}, {pipeline_mode = #tpu.pipeline_mode<synchronous>, transform_indices = @transform_3, window_bounds = array<i64: 128, 128>}, {pipeline_mode = #tpu.pipeline_mode<synchronous>, transform_indices = @transform_4, window_bounds = array<i64: 1, 128>}, {pipeline_mode = #tpu.pipeline_mode<synchronous>, transform_indices = @transform_5, window_bounds = array<i64: 128, 128>}, {pipeline_mode = #tpu.pipeline_mode<synchronous>, transform_indices = @transform_6, window_bounds = array<i64: 1, 128>}, {transform_indices = @transform_7, window_bounds = array<i64: 1000, 128>}, {transform_indices = @transform_8, window_bounds = array<i64: 1000, 128>}, {transform_indices = @transform_9, window_bounds = array<i64: 1000, 128>}]} {
    %get3A = arith.constant 0 : index
    %get3A_0 = arith.constant 0 : index
    %get3A_1 = vector.load %arg1[%get3A, %get3A_0] : memref<1000x128xf32, #tpu.memory_space<vmem>>, vector<1000x128xf32>
    %get3A_2 = arith.constant 0 : index
    %get3A_3 = arith.constant 0 : index
    %get3A_4 = vector.load %arg2[%get3A_2, %get3A_3] : memref<128x128xf32, #tpu.memory_space<vmem>>, vector<128x128xf32>
    %dot_general3A = arith.constant dense<0.000000e+00> : vector<1000x128xf32>
    %dot_general3A_5 = tpu.matmul %get3A_1, %get3A_4, %dot_general3A {dimension_numbers = #tpu.dot_dimension_numbers<[1], [0], [0], [1], [0, 0, 1, 1], [], []>, transpose_lhs_hint = false} : vector<1000x128xf32>, vector<128x128xf32>, vector<1000x128xf32> -> vector<1000x128xf32>
    %get3A_6 = arith.constant 0 : index
    %get3A_7 = arith.constant 0 : index
    %get3A_8 = vector.load %arg3[%get3A_6, %get3A_7] : memref<1x128xf32, #tpu.memory_space<vmem>>, vector<1x128xf32>
    %add3A = vector.broadcast %get3A_8 : vector<1x128xf32> to vector<1000x128xf32>
    %add3A_9 = arith.addf %dot_general3A_5, %add3A : vector<1000x128xf32>
    %swap3A = arith.constant 0 : index
    %swap3A_10 = arith.constant 0 : index
    %swap3A_11 = vector.load %arg8[%swap3A, %swap3A_10] : memref<1000x128xf32, #tpu.memory_space<vmem>>, vector<1000x128xf32>
    tpu.vector_store %arg8[%swap3A, %swap3A_10], %add3A_9 {strides = array<i32>} : memref<1000x128xf32, #tpu.memory_space<vmem>>, vector<1000x128xf32>,
    %get3A_12 = arith.constant 0 : index
    %get3A_13 = arith.constant 0 : index
    %get3A_14 = vector.load %arg4[%get3A_12, %get3A_13] : memref<128x128xf32, #tpu.memory_space<vmem>>, vector<128x128xf32>
    %dot_general3A_15 = arith.constant dense<0.000000e+00> : vector<1000x128xf32>
    %dot_general3A_16 = tpu.matmul %get3A_1, %get3A_14, %dot_general3A_15 {dimension_numbers = #tpu.dot_dimension_numbers<[1], [0], [0], [1], [0, 0, 1, 1], [], []>, transpose_lhs_hint = false} : vector<1000x128xf32>, vector<128x128xf32>, vector<1000x128xf32> -> vector<1000x128xf32>
    %get3A_17 = arith.constant 0 : index
    %get3A_18 = arith.constant 0 : index
    %get3A_19 = vector.load %arg5[%get3A_17, %get3A_18] : memref<1x128xf32, #tpu.memory_space<vmem>>, vector<1x128xf32>
    %add3A_20 = vector.broadcast %get3A_19 : vector<1x128xf32> to vector<1000x128xf32>
    %add3A_21 = arith.addf %dot_general3A_16, %add3A_20 : vector<1000x128xf32>
    %mul3A = arith.constant 0.176776692 : f32
    %mul3A_22 = vector.broadcast %mul3A : f32 to vector<1000x128xf32>
    %mul3A_23 = arith.mulf %add3A_21, %mul3A_22 : vector<1000x128xf32>
    %swap3A_24 = arith.constant 0 : index
    %swap3A_25 = arith.constant 0 : index
    %swap3A_26 = vector.load %arg9[%swap3A_24, %swap3A_25] : memref<1000x128xf32, #tpu.memory_space<vmem>>, vector<1000x128xf32>
    tpu.vector_store %arg9[%swap3A_24, %swap3A_25], %mul3A_23 {strides = array<i32>} : memref<1000x128xf32, #tpu.memory_space<vmem>>, vector<1000x128xf32>,
    %get3A_27 = arith.constant 0 : index
    %get3A_28 = arith.constant 0 : index
    %get3A_29 = vector.load %arg6[%get3A_27, %get3A_28] : memref<128x128xf32, #tpu.memory_space<vmem>>, vector<128x128xf32>
    %dot_general3A_30 = arith.constant dense<0.000000e+00> : vector<1000x128xf32>
    %dot_general3A_31 = tpu.matmul %get3A_1, %get3A_29, %dot_general3A_30 {dimension_numbers = #tpu.dot_dimension_numbers<[1], [0], [0], [1], [0, 0, 1, 1], [], []>, transpose_lhs_hint = false} : vector<1000x128xf32>, vector<128x128xf32>, vector<1000x128xf32> -> vector<1000x128xf32>
    %get3A_32 = arith.constant 0 : index
    %get3A_33 = arith.constant 0 : index
    %get3A_34 = vector.load %arg7[%get3A_32, %get3A_33] : memref<1x128xf32, #tpu.memory_space<vmem>>, vector<1x128xf32>
    %add3A_35 = vector.broadcast %get3A_34 : vector<1x128xf32> to vector<1000x128xf32>
    %add3A_36 = arith.addf %dot_general3A_31, %add3A_35 : vector<1000x128xf32>
    %swap3A_37 = arith.constant 0 : index
    %swap3A_38 = arith.constant 0 : index
    %swap3A_39 = vector.load %arg10[%swap3A_37, %swap3A_38] : memref<1000x128xf32, #tpu.memory_space<vmem>>, vector<1000x128xf32>
    tpu.vector_store %arg10[%swap3A_37, %swap3A_38], %add3A_36 {strides = array<i32>} : memref<1000x128xf32, #tpu.memory_space<vmem>>, vector<1000x128xf32>,
    return
  }
  func.func @transform_0(%arg0: i32) -> (i32, i32) {
    %c0_i32 = arith.constant 0 : i32
    %c0_i32_0 = arith.constant 0 : i32
    return %arg0, %c0_i32 : i32, i32
  }
  func.func @transform_1(%arg0: i32) -> (i32, i32) {
    %c0_i32 = arith.constant 0 : i32
    %c0_i32_0 = arith.constant 0 : i32
    %c0_i32_1 = arith.constant 0 : i32
    return %c0_i32, %c0_i32_0 : i32, i32
  }
  func.func @transform_2(%arg0: i32) -> (i32, i32) {
    %c0_i32 = arith.constant 0 : i32
    %c0_i32_0 = arith.constant 0 : i32
    %c0_i32_1 = arith.constant 0 : i32
    return %c0_i32, %c0_i32_0 : i32, i32
  }
  func.func @transform_3(%arg0: i32) -> (i32, i32) {
    %c0_i32 = arith.constant 0 : i32
    %c0_i32_0 = arith.constant 0 : i32
    %c0_i32_1 = arith.constant 0 : i32
    return %c0_i32, %c0_i32_0 : i32, i32
  }
  func.func @transform_4(%arg0: i32) -> (i32, i32) {
    %c0_i32 = arith.constant 0 : i32
    %c0_i32_0 = arith.constant 0 : i32
    %c0_i32_1 = arith.constant 0 : i32
    return %c0_i32, %c0_i32_0 : i32, i32
  }
  func.func @transform_5(%arg0: i32) -> (i32, i32) {
    %c0_i32 = arith.constant 0 : i32
    %c0_i32_0 = arith.constant 0 : i32
    %c0_i32_1 = arith.constant 0 : i32
    return %c0_i32, %c0_i32_0 : i32, i32
  }
  func.func @transform_6(%arg0: i32) -> (i32, i32) {
    %c0_i32 = arith.constant 0 : i32
    %c0_i32_0 = arith.constant 0 : i32
    %c0_i32_1 = arith.constant 0 : i32
    return %c0_i32, %c0_i32_0 : i32, i32
  }
  func.func @transform_7(%arg0: i32) -> (i32, i32) {
    %c0_i32 = arith.constant 0 : i32
    %c0_i32_0 = arith.constant 0 : i32
    return %arg0, %c0_i32 : i32, i32
  }
  func.func @transform_8(%arg0: i32) -> (i32, i32) {
    %c0_i32 = arith.constant 0 : i32
    %c0_i32_0 = arith.constant 0 : i32
    return %arg0, %c0_i32 : i32, i32
  }
  func.func @transform_9(%arg0: i32) -> (i32, i32) {
    %c0_i32 = arith.constant 0 : i32
    %c0_i32_0 = arith.constant 0 : i32
    return %arg0, %c0_i32 : i32, i32
  }
}

module attributes {stable_mosaic.version = 14 : i64} {
  func.func @_edge_body(%arg0: i32, %arg1: memref<2000x128xf32, #tpu.memory_space<vmem>>, %arg2: memref<2000x128xf32, #tpu.memory_space<vmem>>, %arg3: memref<2000x128xf32, #tpu.memory_space<vmem>>, %arg4: memref<2000x128xf32, #tpu.memory_space<vmem>>, %arg5: memref<2000x128xf32, #tpu.memory_space<vmem>>) attributes {dimension_semantics = [#tpu.dimension_semantics<arbitrary>], iteration_bounds = array<i64: 160>, scalar_prefetch = 0 : i64, scratch_operands = 0 : i64, tpu.core_type = #tpu.core_type<tc>, window_params = [{transform_indices = @transform_0, window_bounds = array<i64: 2000, 128>}, {transform_indices = @transform_1, window_bounds = array<i64: 2000, 128>}, {transform_indices = @transform_2, window_bounds = array<i64: 2000, 128>}, {transform_indices = @transform_3, window_bounds = array<i64: 2000, 128>}, {transform_indices = @transform_4, window_bounds = array<i64: 2000, 128>}]} {
    %get3A = arith.constant 0 : index
    %get3A_0 = arith.constant 0 : index
    %get3A_1 = vector.load %arg1[%get3A, %get3A_0] : memref<2000x128xf32, #tpu.memory_space<vmem>>, vector<2000x128xf32>
    %get3A_2 = arith.constant 0 : index
    %get3A_3 = arith.constant 0 : index
    %get3A_4 = vector.load %arg2[%get3A_2, %get3A_3] : memref<2000x128xf32, #tpu.memory_space<vmem>>, vector<2000x128xf32>
    %mul3A = arith.mulf %get3A_1, %get3A_4 : vector<2000x128xf32>
    %iota3A = tpu.iota {dimensions = array<i32: 1>} : vector<4x128xi32>
    %jit3A = arith.constant 32 : i32
    %div3A = vector.broadcast %jit3A : i32 to vector<4x128xi32>
    %div3A_5 = arith.divsi %iota3A, %div3A : vector<4x128xi32>
    %sign3A = arith.constant 0 : i32
    %sign3A_6 = vector.broadcast %sign3A : i32 to vector<4x128xi32>
    %sign3A_7 = arith.cmpi sgt, %iota3A, %sign3A_6 : vector<4x128xi32>
    %sign3A_8 = arith.extui %sign3A_7 : vector<4x128xi1> to vector<4x128xi32>
    %sign3A_9 = arith.constant 0 : i32
    %sign3A_10 = vector.broadcast %sign3A_9 : i32 to vector<4x128xi32>
    %sign3A_11 = arith.cmpi slt, %iota3A, %sign3A_10 : vector<4x128xi32>
    %sign3A_12 = arith.extui %sign3A_11 : vector<4x128xi1> to vector<4x128xi32>
    %sign3A_13 = arith.subi %sign3A_8, %sign3A_12 : vector<4x128xi32>
    %sign3A_14 = arith.constant 0 : i32
    %sign3A_15 = arith.cmpi sgt, %jit3A, %sign3A_14 : i32
    %sign3A_16 = arith.extui %sign3A_15 : i1 to i32
    %sign3A_17 = arith.constant 0 : i32
    %sign3A_18 = arith.cmpi slt, %jit3A, %sign3A_17 : i32
    %sign3A_19 = arith.extui %sign3A_18 : i1 to i32
    %sign3A_20 = arith.subi %sign3A_16, %sign3A_19 : i32
    %ne3A = vector.broadcast %sign3A_20 : i32 to vector<4x128xi32>
    %ne3A_21 = arith.cmpi ne, %sign3A_13, %ne3A : vector<4x128xi32>
    %rem3A = vector.broadcast %jit3A : i32 to vector<4x128xi32>
    %rem3A_22 = arith.remsi %iota3A, %rem3A : vector<4x128xi32>
    %ne3A_23 = arith.constant 0 : i32
    %ne3A_24 = vector.broadcast %ne3A_23 : i32 to vector<4x128xi32>
    %ne3A_25 = arith.cmpi ne, %rem3A_22, %ne3A_24 : vector<4x128xi32>
    %and3A = arith.andi %ne3A_21, %ne3A_25 : vector<4x128xi1>
    %sub3A = arith.constant 1 : i32
    %sub3A_26 = vector.broadcast %sub3A : i32 to vector<4x128xi32>
    %sub3A_27 = arith.subi %div3A_5, %sub3A_26 : vector<4x128xi32>
    %select_n3A = arith.select %and3A, %sub3A_27, %div3A_5 : vector<4x128xi1>, vector<4x128xi32>
    %iota3A_28 = tpu.iota {dimensions = array<i32: 0>} : vector<4x128xi32>
    %eq3A = arith.cmpi eq, %select_n3A, %iota3A_28 : vector<4x128xi32>
    %convert_element_type3A = arith.extui %eq3A : vector<4x128xi1> to vector<4x128xi32>
    %convert_element_type3A_29 = arith.sitofp %convert_element_type3A : vector<4x128xi32> to vector<4x128xf32>
    %transpose3A = tpu.transpose %convert_element_type3A_29, [1, 0] : vector<4x128xf32> -> vector<128x4xf32>
    %dot_general3A = arith.constant dense<0.000000e+00> : vector<2000x4xf32>
    %dot_general3A_30 = tpu.matmul %mul3A, %transpose3A, %dot_general3A {dimension_numbers = #tpu.dot_dimension_numbers<[1], [0], [0], [1], [0, 0, 1, 1], [], []>, transpose_lhs_hint = false} : vector<2000x128xf32>, vector<128x4xf32>, vector<2000x4xf32> -> vector<2000x4xf32>
    %exp3A = math.exp %dot_general3A_30 : vector<2000x4xf32>
    %dot_general3A_31 = arith.constant dense<0.000000e+00> : vector<2000x128xf32>
    %dot_general3A_32 = tpu.matmul %exp3A, %convert_element_type3A_29, %dot_general3A_31 {dimension_numbers = #tpu.dot_dimension_numbers<[1], [0], [0], [1], [0, 0, 1, 1], [], []>, transpose_lhs_hint = false} : vector<2000x4xf32>, vector<4x128xf32>, vector<2000x128xf32> -> vector<2000x128xf32>
    %get3A_33 = arith.constant 0 : index
    %get3A_34 = arith.constant 0 : index
    %get3A_35 = vector.load %arg3[%get3A_33, %get3A_34] : memref<2000x128xf32, #tpu.memory_space<vmem>>, vector<2000x128xf32>
    %mul3A_36 = arith.mulf %get3A_35, %dot_general3A_32 : vector<2000x128xf32>
    %swap3A = arith.constant 0 : index
    %swap3A_37 = arith.constant 0 : index
    %swap3A_38 = vector.load %arg4[%swap3A, %swap3A_37] : memref<2000x128xf32, #tpu.memory_space<vmem>>, vector<2000x128xf32>
    tpu.vector_store %arg4[%swap3A, %swap3A_37], %mul3A_36 {strides = array<i32>} : memref<2000x128xf32, #tpu.memory_space<vmem>>, vector<2000x128xf32>,
    %swap3A_39 = arith.constant 0 : index
    %swap3A_40 = arith.constant 0 : index
    %swap3A_41 = vector.load %arg5[%swap3A_39, %swap3A_40] : memref<2000x128xf32, #tpu.memory_space<vmem>>, vector<2000x128xf32>
    tpu.vector_store %arg5[%swap3A_39, %swap3A_40], %dot_general3A_32 {strides = array<i32>} : memref<2000x128xf32, #tpu.memory_space<vmem>>, vector<2000x128xf32>,
    return
  }
  func.func @transform_0(%arg0: i32) -> (i32, i32) {
    %c0_i32 = arith.constant 0 : i32
    %c0_i32_0 = arith.constant 0 : i32
    return %arg0, %c0_i32 : i32, i32
  }
  func.func @transform_1(%arg0: i32) -> (i32, i32) {
    %c0_i32 = arith.constant 0 : i32
    %c0_i32_0 = arith.constant 0 : i32
    return %arg0, %c0_i32 : i32, i32
  }
  func.func @transform_2(%arg0: i32) -> (i32, i32) {
    %c0_i32 = arith.constant 0 : i32
    %c0_i32_0 = arith.constant 0 : i32
    return %arg0, %c0_i32 : i32, i32
  }
  func.func @transform_3(%arg0: i32) -> (i32, i32) {
    %c0_i32 = arith.constant 0 : i32
    %c0_i32_0 = arith.constant 0 : i32
    return %arg0, %c0_i32 : i32, i32
  }
  func.func @transform_4(%arg0: i32) -> (i32, i32) {
    %c0_i32 = arith.constant 0 : i32
    %c0_i32_0 = arith.constant 0 : i32
    return %arg0, %c0_i32 : i32, i32
  }
}

module attributes {stable_mosaic.version = 14 : i64} {
  func.func @_final_body(%arg0: i32, %arg1: memref<1000x128xf32, #tpu.memory_space<vmem>>, %arg2: memref<2x1000x128xf32, #tpu.memory_space<vmem>>, %arg3: memref<128x128xf32, #tpu.memory_space<vmem>>, %arg4: memref<1x128xf32, #tpu.memory_space<vmem>>, %arg5: memref<1x128xf32, #tpu.memory_space<vmem>>, %arg6: memref<1x128xf32, #tpu.memory_space<vmem>>, %arg7: memref<1000x128xf32, #tpu.memory_space<vmem>>) attributes {dimension_semantics = [#tpu.dimension_semantics<arbitrary>], iteration_bounds = array<i64: 10>, scalar_prefetch = 0 : i64, scratch_operands = 0 : i64, tpu.core_type = #tpu.core_type<tc>, window_params = [{transform_indices = @transform_0, window_bounds = array<i64: 1000, 128>}, {transform_indices = @transform_1, window_bounds = array<i64: 2, 1000, 128>}, {pipeline_mode = #tpu.pipeline_mode<synchronous>, transform_indices = @transform_2, window_bounds = array<i64: 128, 128>}, {pipeline_mode = #tpu.pipeline_mode<synchronous>, transform_indices = @transform_3, window_bounds = array<i64: 1, 128>}, {pipeline_mode = #tpu.pipeline_mode<synchronous>, transform_indices = @transform_4, window_bounds = array<i64: 1, 128>}, {pipeline_mode = #tpu.pipeline_mode<synchronous>, transform_indices = @transform_5, window_bounds = array<i64: 1, 128>}, {transform_indices = @transform_6, window_bounds = array<i64: 1000, 128>}]} {
    %get3A = arith.constant 0 : index
    %get3A_0 = arith.constant 0 : index
    %get3A_1 = arith.constant 0 : index
    %get3A_2 = vector.load %arg2[%get3A, %get3A_0, %get3A_1] : memref<2x1000x128xf32, #tpu.memory_space<vmem>>, vector<1x1000x128xf32>
    %get3A_3 = vector.shape_cast %get3A_2 : vector<1x1000x128xf32> to vector<1000x128xf32>
    %get3A_4 = arith.constant 1 : index
    %get3A_5 = arith.constant 0 : index
    %get3A_6 = arith.constant 0 : index
    %get3A_7 = vector.load %arg2[%get3A_4, %get3A_5, %get3A_6] : memref<2x1000x128xf32, #tpu.memory_space<vmem>>, vector<1x1000x128xf32>
    %get3A_8 = vector.shape_cast %get3A_7 : vector<1x1000x128xf32> to vector<1000x128xf32>
    %add3A = arith.constant 1.000000e-10 : f32
    %add3A_9 = vector.broadcast %add3A : f32 to vector<1000x128xf32>
    %add3A_10 = arith.addf %get3A_8, %add3A_9 : vector<1000x128xf32>
    %div3A = arith.divf %get3A_3, %add3A_10 : vector<1000x128xf32>
    %get3A_11 = arith.constant 0 : index
    %get3A_12 = arith.constant 0 : index
    %get3A_13 = vector.load %arg3[%get3A_11, %get3A_12] : memref<128x128xf32, #tpu.memory_space<vmem>>, vector<128x128xf32>
    %dot_general3A = arith.constant dense<0.000000e+00> : vector<1000x128xf32>
    %dot_general3A_14 = tpu.matmul %div3A, %get3A_13, %dot_general3A {dimension_numbers = #tpu.dot_dimension_numbers<[1], [0], [0], [1], [0, 0, 1, 1], [], []>, transpose_lhs_hint = false} : vector<1000x128xf32>, vector<128x128xf32>, vector<1000x128xf32> -> vector<1000x128xf32>
    %get3A_15 = arith.constant 0 : index
    %get3A_16 = arith.constant 0 : index
    %get3A_17 = vector.load %arg4[%get3A_15, %get3A_16] : memref<1x128xf32, #tpu.memory_space<vmem>>, vector<1x128xf32>
    %add3A_18 = vector.broadcast %get3A_17 : vector<1x128xf32> to vector<1000x128xf32>
    %add3A_19 = arith.addf %dot_general3A_14, %add3A_18 : vector<1000x128xf32>
    %get3A_20 = arith.constant 0 : index
    %get3A_21 = arith.constant 0 : index
    %get3A_22 = vector.load %arg1[%get3A_20, %get3A_21] : memref<1000x128xf32, #tpu.memory_space<vmem>>, vector<1000x128xf32>
    %add3A_23 = arith.addf %add3A_19, %get3A_22 : vector<1000x128xf32>
    %reduce_sum3A = arith.constant dense<0.000000e+00> : vector<1000xf32>
    %reduce_sum3A_24 = vector.multi_reduction <add>, %add3A_23, %reduce_sum3A [1] : vector<1000x128xf32> to vector<1000xf32>
    %broadcast_in_dim3A = vector.shape_cast %reduce_sum3A_24 : vector<1000xf32> to vector<1000x1xf32>
    %div3A_25 = arith.constant 1.280000e+02 : f32
    %div3A_26 = vector.broadcast %div3A_25 : f32 to vector<1000x1xf32>
    %div3A_27 = arith.divf %broadcast_in_dim3A, %div3A_26 : vector<1000x1xf32>
    %sub3A = vector.broadcast %div3A_27 : vector<1000x1xf32> to vector<1000x128xf32>
    %sub3A_28 = arith.subf %add3A_23, %sub3A : vector<1000x128xf32>
    %mul3A = arith.mulf %sub3A_28, %sub3A_28 : vector<1000x128xf32>
    %reduce_sum3A_29 = arith.constant dense<0.000000e+00> : vector<1000xf32>
    %reduce_sum3A_30 = vector.multi_reduction <add>, %mul3A, %reduce_sum3A_29 [1] : vector<1000x128xf32> to vector<1000xf32>
    %broadcast_in_dim3A_31 = vector.shape_cast %reduce_sum3A_30 : vector<1000xf32> to vector<1000x1xf32>
    %div3A_32 = arith.constant 1.280000e+02 : f32
    %div3A_33 = vector.broadcast %div3A_32 : f32 to vector<1000x1xf32>
    %div3A_34 = arith.divf %broadcast_in_dim3A_31, %div3A_33 : vector<1000x1xf32>
    %get3A_35 = arith.constant 0 : index
    %get3A_36 = arith.constant 0 : index
    %get3A_37 = vector.load %arg5[%get3A_35, %get3A_36] : memref<1x128xf32, #tpu.memory_space<vmem>>, vector<1x128xf32>
    %add3A_38 = arith.constant 9.99999974E-6 : f32
    %add3A_39 = vector.broadcast %add3A_38 : f32 to vector<1000x1xf32>
    %add3A_40 = arith.addf %div3A_34, %add3A_39 : vector<1000x1xf32>
    %rsqrt3A = math.rsqrt %add3A_40 : vector<1000x1xf32>
    %mul3A_41 = vector.broadcast %rsqrt3A : vector<1000x1xf32> to vector<1000x128xf32>
    %mul3A_42 = arith.mulf %sub3A_28, %mul3A_41 : vector<1000x128xf32>
    %mul3A_43 = vector.broadcast %get3A_37 : vector<1x128xf32> to vector<1000x128xf32>
    %mul3A_44 = arith.mulf %mul3A_43, %mul3A_42 : vector<1000x128xf32>
    %get3A_45 = arith.constant 0 : index
    %get3A_46 = arith.constant 0 : index
    %get3A_47 = vector.load %arg6[%get3A_45, %get3A_46] : memref<1x128xf32, #tpu.memory_space<vmem>>, vector<1x128xf32>
    %add3A_48 = vector.broadcast %get3A_47 : vector<1x128xf32> to vector<1000x128xf32>
    %add3A_49 = arith.addf %mul3A_44, %add3A_48 : vector<1000x128xf32>
    %swap3A = arith.constant 0 : index
    %swap3A_50 = arith.constant 0 : index
    %swap3A_51 = vector.load %arg7[%swap3A, %swap3A_50] : memref<1000x128xf32, #tpu.memory_space<vmem>>, vector<1000x128xf32>
    tpu.vector_store %arg7[%swap3A, %swap3A_50], %add3A_49 {strides = array<i32>} : memref<1000x128xf32, #tpu.memory_space<vmem>>, vector<1000x128xf32>,
    return
  }
  func.func @transform_0(%arg0: i32) -> (i32, i32) {
    %c0_i32 = arith.constant 0 : i32
    %c0_i32_0 = arith.constant 0 : i32
    return %arg0, %c0_i32 : i32, i32
  }
  func.func @transform_1(%arg0: i32) -> (i32, i32, i32) {
    %c0_i32 = arith.constant 0 : i32
    %c0_i32_0 = arith.constant 0 : i32
    %c0_i32_1 = arith.constant 0 : i32
    return %c0_i32, %arg0, %c0_i32_0 : i32, i32, i32
  }
  func.func @transform_2(%arg0: i32) -> (i32, i32) {
    %c0_i32 = arith.constant 0 : i32
    %c0_i32_0 = arith.constant 0 : i32
    %c0_i32_1 = arith.constant 0 : i32
    return %c0_i32, %c0_i32_0 : i32, i32
  }
  func.func @transform_3(%arg0: i32) -> (i32, i32) {
    %c0_i32 = arith.constant 0 : i32
    %c0_i32_0 = arith.constant 0 : i32
    %c0_i32_1 = arith.constant 0 : i32
    return %c0_i32, %c0_i32_0 : i32, i32
  }
  func.func @transform_4(%arg0: i32) -> (i32, i32) {
    %c0_i32 = arith.constant 0 : i32
    %c0_i32_0 = arith.constant 0 : i32
    %c0_i32_1 = arith.constant 0 : i32
    return %c0_i32, %c0_i32_0 : i32, i32
  }
  func.func @transform_5(%arg0: i32) -> (i32, i32) {
    %c0_i32 = arith.constant 0 : i32
    %c0_i32_0 = arith.constant 0 : i32
    %c0_i32_1 = arith.constant 0 : i32
    return %c0_i32, %c0_i32_0 : i32, i32
  }
  func.func @transform_6(%arg0: i32) -> (i32, i32) {
    %c0_i32 = arith.constant 0 : i32
    %c0_i32_0 = arith.constant 0 : i32
    return %arg0, %c0_i32 : i32, i32
  }
}

</mosaic_0001>

<sc_bundles>
// kernel: kernel.10.cloned.1.call-start
scs
__scs_entry_jumppad:
0x0: {  	(pc) =	sbr.rel $0x88, $3  }
0x1: {  	(tag) =	ssettag $0x0;
	lr =	simm.s32 $0x1  }
0x2: {  	[smem:$0x3F95] =	sst lr;
	_ =	strace $0xD0000000  }
0x3: {  	_ = 	snop  }
0x4: {  	_ = 	snop  }
0x5: {  	_ = 	snop  }
0x6: {  	_ = 	snop  }
0x7: {  	_ = 	snop  }
__scs_overlays_trampoline_lowered:
0x8: {  	[smem:$0x3FA4] =	sst s0  }
0x9: {  	[smem:$0x3FA5] =	sst s1  }
0xa: {  	[smem:$0x3FA6] =	sst s2  }
0xb: {  	[smem:$0x3FA7] =	sst s3  }
0xc: {  	[smem:$0x3FA8] =	sst s4  }
0xd: {  	[smem:$0x3FA9] =	sst s5  }
0xe: {  	[smem:$0x3FAA] =	sst s6  }
0xf: {  	[smem:$0x3FAB] =	sst s7  }
0x10: {  	[smem:$0x3FAC] =	sst s8  }
0x11: {  	[smem:$0x3FAD] =	sst s9;
	s0 =	simm.s32 @!p0 $0x0  }
0x12: {  	s1 =	sld [smem:$0x3F93];
	s0 =	simm.s32 @p0 $0x1  }
0x13: {  	[smem:$0x3FAE] =	sst s0;
	s0 =	simm.s32 @!p1 $0x0  }
0x14: {  	s2 =	sld [smem:$0x3F92];
	s0 =	simm.s32 @p1 $0x1  }
0x15: {  	[smem:$0x3FAF] =	sst s0;
	s0 =	simm.s32 @!p2 $0x0  }
0x16: {  	s3 =	sld [smem:$0x3FDB];
	s0 =	simm.s32 @p2 $0x1  }
0x17: {  	s4 =	simm.s32 $0x1BF5;
	[smem:$0x3FB1] =	sst s0  }
0x18: {  	s0 =	sld [smem:$0x3F94];
	_ =	swait.ge [sflag:s4], $0x0  }
0x19: {  	s7 =	sld [smem:$0x3F95]  }
0x1a: {  	s8 =	sadd.s32 $0xFFFFE003, lr  }
0x1b: {  	s9 =	sadd.s32 $0xFFFFFEF7, lr;
	s5 =	simm.s32 $0xFFFFFFFF;
	p2 =	slt.u32 s8, $0xFFFFF086  }
0x1c: {  	p1 =	slt.u32 s9, $0xF7A;
	s5 =	simm.s32 @!p2 $0x0  }
0x1d: {  	s5 =	simm.s32 @p1 $0x1;
	p0 =	seq.s32 s7, s2  }
0x1e: {  	s7 =	smul.u32 @!p0 $0xF7A, s2;
	p2 =	seq.s32 @!p0 s5, $0x0  }
0x1f: {  	s9 =	smul.u32 $0xF7A, s1;
	s8 =	simm.s32 @!p0 $0x1BF5;
	p2 =	por !p2, p0  }
0x20: {  	[sflag:s8] =	ssyncset.s32 @!p0 $0xFFFFF086;
	s6 =	sadd.s32 @!p0 s3, s7;
	s7 =	simm.s32 @!p0 $0x108  }
0x21: {  	s3 =	sadd.s32 s3, s9;
	s6 =	sadd.s32 @!p0 $0x88, s6;
	s7 =	simm.s32 @p2 $0x1082  }
0x22: {  	[simem:s7], [sflag:s8] =	dma.local @!p0 [hbm:s6], $0xF7A  }
0x23: {  	s9 =	sor.u32 $0xD0000000, s2;
	s6 =	simm.s32 $0x108;
	_ =	swait.ge @!p0 [sflag:s8], $0x0  }
0x24: {  	s3 =	sadd.s32 $0x88, s3;
	s6 =	simm.s32 @!p1 $0x1082;
	[sflag:s4] =	ssyncset.s32 $0xFFFFF086  }
0x25: {  	[simem:s6], [sflag:s4] =	dma.local [hbm:s3], $0xF7A  }
0x26: {  	[smem:$0x3F95] =	sst s1;
	(tag) =	ssettag s2;
	_ =	strace s9  }
0x27: {  	s1 =	sld [smem:$0x3FA5]  }
0x28: {  	s2 =	sld [smem:$0x3FA6]  }
0x29: {  	s4 =	sld [smem:$0x3FA8]  }
0x2a: {  	p0 =	seq.s32 s5, $0x0;
	s5 =	sld [smem:$0x3FA9]  }
0x2b: {  	s6 =	sld [smem:$0x3FAA]  }
0x2c: {  	s7 =	sld [smem:$0x3FAB]  }
0x2d: {  	s3 =	simm.s32 $0x108;
	s8 =	sld [smem:$0x3FAC]  }
0x2e: {  	s3 =	simm.s32 @!p0 $0x1082;
	s9 =	sld [smem:$0x3FAD]  }
0x2f: {  	lr =	sadd.s32 s0, s3;
	s0 =	sld [smem:$0x3FA4]  }
0x30: {  	s3 =	sld [smem:$0x3FA7]  }
0x31: {  	[smem:$0x3FB0] =	sst s10  }
0x32: {  	s10 =	sld [smem:$0x3FAE];
	_ =	sdelay $0x3  }
0x33: {  	p0 =	seq.s32 s10, $0x1;
	s10 =	sld [smem:$0x3FB0];
	_ =	sdelay $0x3  }
0x34: {  	[smem:$0x3FB0] =	sst s10  }
0x35: {  	s10 =	sld [smem:$0x3FAF];
	_ =	sdelay $0x3  }
0x36: {  	p1 =	seq.s32 s10, $0x1;
	s10 =	sld [smem:$0x3FB0];
	_ =	sdelay $0x3  }
0x37: {  	[smem:$0x3FB0] =	sst s10  }
0x38: {  	s10 =	sld [smem:$0x3FB1]  }
0x39: {  	_ = 	snop;
	(pc) =	sbr.ind lr, $3  }
0x3a: {  	_ = 	snop  }
0x3b: {  	_ = 	snop  }
0x3c: {  	p2 =	seq.s32 s10, $0x1;
	s10 =	sld [smem:$0x3FB0]  }
0x3d: {  	_ =	shalt  }
0x3e: {  	_ =	shalt  }
0x3f: {  	_ =	shalt  }
0x40: {  	_ =	shalt  }
0x41: {  	_ =	shalt  }
0x42: {  	_ =	shalt  }
0x43: {  	_ =	shalt  }
0x44: {  	_ =	shalt  }
0x45: {  	_ =	shalt  }
0x46: {  	_ =	shalt  }
0x47: {  	_ =	shalt  }
0x48: {  	_ =	shalt  }
0x49: {  	_ =	shalt  }
0x4a: {  	_ =	shalt  }
0x4b: {  	_ =	shalt  }
0x4c: {  	_ =	shalt  }
0x4d: {  	_ =	shalt  }
0x4e: {  	_ =	shalt  }
0x4f: {  	_ =	shalt  }
0x50: {  	_ =	shalt  }
0x51: {  	_ =	shalt  }
0x52: {  	_ =	shalt  }
0x53: {  	_ =	shalt  }
0x54: {  	_ =	shalt  }
0x55: {  	_ =	shalt  }
0x56: {  	_ =	shalt  }
0x57: {  	_ =	shalt  }
0x58: {  	_ =	shalt  }
0x59: {  	_ =	shalt  }
0x5a: {  	_ =	shalt  }
0x5b: {  	_ =	shalt  }
0x5c: {  	_ =	shalt  }
0x5d: {  	_ =	shalt  }
0x5e: {  	_ =	shalt  }
0x5f: {  	_ =	shalt  }
0x60: {  	_ =	shalt  }
0x61: {  	_ =	shalt  }
0x62: {  	_ =	shalt  }
0x63: {  	_ =	shalt  }
0x64: {  	_ =	shalt  }
0x65: {  	_ =	shalt  }
0x66: {  	_ =	shalt  }
0x67: {  	_ =	shalt  }
0x68: {  	_ =	shalt  }
0x69: {  	_ =	shalt  }
0x6a: {  	_ =	shalt  }
0x6b: {  	_ =	shalt  }
0x6c: {  	_ =	shalt  }
0x6d: {  	_ =	shalt  }
0x6e: {  	_ =	shalt  }
0x6f: {  	_ =	shalt  }
0x70: {  	_ =	shalt  }
0x71: {  	_ =	shalt  }
0x72: {  	_ =	shalt  }
0x73: {  	_ =	shalt  }
0x74: {  	_ =	shalt  }
0x75: {  	_ =	shalt  }
0x76: {  	_ =	shalt  }
0x77: {  	_ =	shalt  }
0x78: {  	_ =	shalt  }
0x79: {  	_ =	shalt  }
0x7a: {  	_ =	shalt  }
0x7b: {  	_ =	shalt  }
0x7c: {  	_ =	shalt  }
0x7d: {  	_ =	shalt  }
0x7e: {  	_ =	shalt  }
0x7f: {  	_ =	shalt  }
0x80: {  	_ =	shalt  }
0x81: {  	_ =	shalt  }
0x82: {  	_ =	shalt  }
0x83: {  	_ =	shalt  }
0x84: {  	_ =	shalt  }
0x85: {  	_ =	shalt  }
0x86: {  	_ =	shalt  }
0x87: {  	_ =	shalt  }
.Lfunc_end0:
.L_simem_size_0:
called_computation.1_lowered:
.L_overlay_start_0:
0x88: {  	s2 =	sld [smem:$0x3FD9]  }
0x89: {  	s3 =	sld [smem:$0x3FFE];
	_ =	sdelay $0x1  }
0x8a: {  	s1 =	srdreg.scid  }
0x8b: {  	s0 =	sand.u32 $0x1, s1  }
0x8c: {  	s16 =	sshll.u32 s0, $0xA;
	s2 =	sadd.s32 s3, s2  }
0x8d: {  	s2 =	sadd.s32 s2, s16  }
0x8e: {  	[smem:$0x3FBC] =	sst s2  }
0x8f: {  	_ = 	snop  }
0x90: {  	(tm) =	ssettm $0x1  }
0x91: {  	s17 =	sld [smem:$0x3FFB];
	_ =	sdelay $0x3  }
0x92: {  	_ =	strace s17  }
0x93: {  	s2 =	sld [smem:$0x3FFC];
	_ =	sdelay $0x3  }
0x94: {  	_ =	strace s2  }
0x95: {  	s2 =	sld [smem:$0x3FFD];
	_ =	sdelay $0x3  }
0x96: {  	_ =	strace s2  }
0x97: {  	_ =	strace $0x8FFFFFFF  }
0x98: {  	s18 =	sld [smem:$0x3FDB];
	_ =	sdelay $0x1  }
0x99: {  	s19 =	simm.s32 $_scs_section_size  }
0x9a: {  	s4 =	simm.s32 $_size__tile_overlayer_lowered;
	s5 =	simm.s32 $_tile_overlayer_lowered  }
0x9b: {  	s22 =	simm.s32 $0x1BFF;
	s21 =	sshll.u32 s5, $0x1;
	s2 =	sadd.s32 s19, s18  }
0x9c: {  	s6 =	simm.s32 $0x0;
	s20 =	sshll.u32 s4, $0x1;
	s4 =	sadd.s32 s21, s2  }
0x9d: {  	[timem:s6], [sflag:s22] =	dma.local [hbm:s4], s20  }
0x9e: {  	_ =	swait.ge [sflag:s22], s20  }
0x9f: {  	s3 =	ssub.s32 $0x0, s20;
	[sflag:s22] =	ssyncset.done $0x0  }
0xa0: {  	[sflag:s22] =	ssyncadd.s32 s3;
	_ =	sdelay $0x1  }
0xa1: {  	s23 =	simm.s32 $0x1B8B  }
0xa2: {  	_ =	swait.ge [sflag:s23], $0x1  }
0xa3: {  	[sflag:s23] =	ssyncset.done $0x0  }
0xa4: {  	s25 =	simm.s32 $0x1B8E;
	s24 =	sld [smem:$0x3FFE];
	[sflag:s23] =	ssyncadd.s32 $0xFFFFFFFF  }
0xa5: {  	s26 =	simm.s32 $execute0_lowered;
	[smem:$0x3FD2] =	sst s25  }
0xa6: {  	s4 =	sshll.u32 s26, $0x1;
	_ =	strace $0x80000049;
	[dreg:$0x1] =	wrdreg $0xFFFFFFFF  }
0xa7: {  	s28 =	simm.s32 $_size_execute0_lowered;
	s2 =	sadd.s32 s2, s4;
	[dreg:$0x0] =	wrdreg $0x0  }
0xa8: {  	s4 =	sshll.u32 s28, $0x1;
	[dreg:$0x2] =	wrdreg s2  }
0xa9: {  	[dreg:$0x3] =	wrdreg s4  }
0xaa: {  	[dreg:$0x4] =	wrdreg $0xC0  }
0xab: {  	_ =	task [dreg:s6], $0x5FFFF  }
0xac: {  	[dreg:$0x1] =	wrdreg $0xFFFFFFFF  }
0xad: {  	[dreg:$0x0] =	wrdreg $0x60  }
0xae: {  	[dreg:$0x2] =	wrdreg s24  }
0xaf: {  	[dreg:$0x3] =	wrdreg $0x91800  }
0xb0: {  	[dreg:$0x4] =	wrdreg $0x9  }
0xb1: {  	_ =	task.clear_ibuf [dreg:s6], $0x5FFFF;
	_ =	strace $0x90000049  }
0xb2: {  	s29 =	simm.s32 $0x9;
	_ =	strace $0x8000004B  }
0xb3: {  	_ =	swait.ge [sflag:s29], $0x1  }
0xb4: {  	[sflag:s29] =	ssyncadd.s32 $0xFFFFFFFF  }
0xb5: {  	_ =	strace $0x9000004B  }
0xb6: {  	_ =	sfence  }
0xb7: {  	s30 =	sld [smem:$0x0];
	_ =	sdelay $0x2  }
0xb8: {  	s31 =	sshll.u32 s1, $0xD;
	s1 =	sshrl.u32 s1, $0x2  }
0xb9: {  	s3 =	sand.u32 $0x4000, s31;
	s1 =	sadd.s32 s1, s30  }
0xba: {  	s0 =	sor.u32 s3, s0;
	s1 =	sshll.u32 s1, $0x11  }
0xbb: {  	s0 =	sor.u32 s1, s0  }
0xbc: {  	s0 =	sadd.s32 $0x8F2B, s0  }
0xbd: {  	[sflag:s0] =	ssyncadd.remote.s32 $0x1  }
0xbe: {  	_ =	sfence.sel $0xFFFF  }
0xbf: {  	[dreg:$0x0] =	wrdreg $0xFFFFFFFF;
	(pc) =	sbr.abs _section_cstart, $3  }
0xc0: {  	[dreg:$0x1] =	wrdreg $0xFFFFFFFF  }
0xc1: {  	_ =	task.clear_ibuf [dreg:s6], $0x2FFFF;
	_ =	strace $0x9FFFFFFF  }
0xc2: {  	(tm) =	ssettm $0x7FFFFFFF  }
0xc3: {  	_ =	shalt  }
tec
execute0_lowered:
.L_overlay_start_1:
0x0: {  	(tag) =	ssettag $0x1  }
0x1: {  	s0 =	rddreg [dreg:$0x0]  }
0x2: {  	s1 =	rddreg [dreg:$0x1];
	s3 =	simm.s32 $0x0;
	s20 =	stileid.u32  }
0x3: {  	s2 =	srdreg.scid;
	s28 =	simm.s32 $0x3;
	s29 =	simm.s32 $0x4  }
0x4: {  	s30 =	simm.s32 $0x9100;
	s31 =	simm.s32 $0x8100;
	s4 =	smul.u32 $0x4E000, s20  }
0x5: {  	[smem:$0x7FF] =	sst s3;
	s17 =	sadd.s32 $0xF0A800, s0;
	s10 =	smul.u32 $0x4E20, s20  }
0x6: {  	s21 =	sadd.s32 $0x13EC800, s0;
	s5 =	sadd.s32 $0xC600, s0;
	s15 =	smul.u32 $0x13800, s20  }
0x7: {  	s2 =	sand.u32 $0x1, s2;
	s0 =	sadd.s32 $0x16400, s0;
	s19 =	smul.u32 $0x4E200, s20  }
0x8: {  	s11 =	sadd.s32 $0x138000, s1;
	s18 =	smul.u32 $0x9C4, s20;
	p1 =	sne.s32 s20, $0xF  }
0x9: {  	s20 =	simm.s32 $0x5;
	_ =	strace $0x8000004A;
	s7 =	ssub.s32 $0x2, s2  }
0xa: {  	s14 =	smul.u32 $0x138800, s2;
	p0 =	seq.s32 s2, $0x1;
	[dreg:$0x3] =	wrdreg s17  }
0xb: {  	[dreg:$0x4] =	wrdreg s21;
	s4 =	sshrl.u32 s4, $0x2;
	s8 =	sshrl.u32 s7, $0x1  }
0xc: {  	s13 =	sadd.s32 $0x4E00, s10;
	s17 =	sadd.s32 s19, s17;
	s18 =	sadd.s32 s18, s5  }
0xd: {  	s19 =	sadd.s32 s19, s21;
	s21 =	simm.s32 $0x4000;
	s6 =	sadd.s32 s4, s1  }
0xe: {  	s22 =	ssub.s32 s7, s8;
	s12 =	sshrl.u32 s13, $0x3;
	s25 =	sadd.s32 s15, s14  }
0xf: {  	s14 =	sshrl.u32 s14, $0x3;
	s13 =	sshll.u32 s13, $0x4;
	s4 =	simm.s32 $0x0  }
0x10: {  	s23 =	sadd.s32 $0x4000, s6;
	s24 =	sadd.s32 $0x8000, s6;
	s9 =	sadd.s32 $0xC000, s6  }
.Ltmp0:
0x11: {  	s10 =	sadd.s32 $0x10000, s6;
	s12 =	sadd.s32 s5, s12;
	(pc) =	sbr.rel .LBB2_1-.Ltmp0, $4  }
0x12: {  	s2 =	sshrl.u32 s25, $0x3;
	s26 =	sadd.s32 s0, s14;
	s16 =	smax.u32 s22, $0x1  }
0x13: {  	s22 =	simm.s32 $0x8080;
	s25 =	simm.s32 $0x2;
	[dreg:$0x5] =	wrdreg s23  }
0x14: {  	[dreg:$0x6] =	wrdreg s24;
	s14 =	sadd.s32 s0, s2;
	s15 =	sadd.s32 $0x27000, s26  }
0x15: {  	v0 =	vimm.f32 $0.0e+00;
	s23 =	simm.s32 $0x4080;
	s24 =	simm.s32 $0x1;
	s26 =	simm.s32 $0x80  }
.LBB2_6:
0x16: {  	s0 =	sadd.s32 s0, s18;
	[sflag:s20] =	ssyncadd.s32 $0xFFFFC000  }
0x17: {  	[tilespmem:s21], [sflag:$0x1] =	stream.linear.gather [hbm4b:s0+s3], $0x80, $0x38;
	[tilespmem:$0x1CA00] =	vst v63  }
0x18: {  	_ = 	snop  }
0x19: {  	[tilespmem:s3], [sflag:$0x2] =	stream.linear.gather [hbm4b:s5+s3], $0x4000, $0x38;
	[tilespmem:$0x1CA00] =	vst v63  }
0x1a: {  	s0 =	sadd.s32 $0x10, s0  }
0x1b: {  	[tilespmem:s22], [sflag:$0x3] =	stream.linear.gather [hbm4b:s0+s3], $0x80, $0x38;
	[tilespmem:$0x1CA00] =	vst v63  }
0x1c: {  	s8 =	sadd.s32 $0x800, s5  }
0x1d: {  	[tilespmem:s23], [sflag:$0x4] =	stream.linear.gather [hbm4b:s8+s3], $0x4000, $0x38;
	[tilespmem:$0x1CA00] =	vst v63  }
0x1e: {  	_ =	swait.ge [sflag:s24], $0x80  }
0x1f: {  	[sflag:s24] =	ssyncset.done $0x0  }
0x20: {  	[sflag:s24] =	ssyncadd.s32 $0xFFFFFF80  }
0x21: {  	_ =	swait.ge [sflag:s25], $0x4000  }
0x22: {  	[sflag:s25] =	ssyncset.done $0x0  }
0x23: {  	[sflag:s25] =	ssyncadd.s32 $0xFFFFC000  }
0x24: {  	[spmem:s1] =	stream.indirect.scatter.add.f32 [tilespmem:s3], [sflag:$0x5], $0x80, s21, s26, $0xb8;
	[tilespmem:$0x1CA00] =	vst v63  }
0x25: {  	_ =	swait.ge [sflag:s20], $0x4000  }
0x26: {  	[sflag:s20] =	ssyncset.done $0x0  }
0x27: {  	[sflag:s20] =	ssyncadd.s32 $0xFFFFC000  }
0x28: {  	_ =	swait.ge [sflag:s28], $0x80  }
0x29: {  	[sflag:s28] =	ssyncset.done $0x0  }
0x2a: {  	[sflag:s28] =	ssyncadd.s32 $0xFFFFFF80  }
0x2b: {  	_ =	swait.ge [sflag:s29], $0x4000  }
0x2c: {  	[sflag:s29] =	ssyncset.done $0x0  }
0x2d: {  	[sflag:s29] =	ssyncadd.s32 $0xFFFFC000  }
0x2e: {  	[spmem:s1] =	stream.indirect.scatter.add.f32 [tilespmem:s23], [sflag:$0x5], $0x80, s22, s26, $0xb8;
	[tilespmem:$0x1CA00] =	vst v63  }
0x2f: {  	_ =	swait.ge [sflag:s20], $0x4000  }
0x30: {  	[sflag:s20] =	ssyncset.done $0x0  }
0x31: {  	s0 =	rddreg [dreg:$0x3];
	[sflag:s20] =	ssyncadd.s32 $0xFFFFC000  }
.LBB2_10:
0x32: {  	[tilespmem:s30], [sflag:$0x1] =	stream.linear.gather [hbm4b:s12+s3], $0x20, $0x38;
	[tilespmem:$0x1CA00] =	vst v63  }
0x33: {  	s0 =	sadd.s32 s0, s13  }
0x34: {  	[tilespmem:s31], [sflag:$0x2] =	stream.linear.gather [hbm4b:s0+s3], $0x1000, $0x38;
	[tilespmem:$0x1CA00] =	vst v63  }
0x35: {  	_ =	swait.ge [sflag:s24], $0x20  }
0x36: {  	[sflag:s24] =	ssyncset.done $0x0  }
0x37: {  	[sflag:s24] =	ssyncadd.s32 $0xFFFFFFE0  }
0x38: {  	_ =	swait.ge [sflag:s25], $0x1000  }
0x39: {  	[sflag:s25] =	ssyncset.done $0x0  }
0x3a: {  	s7 =	simm.s32 $0x20;
	[sflag:s25] =	ssyncadd.s32 $0xFFFFF000  }
0x3b: {  	[spmem:s1] =	stream.indirect.scatter.add.f32 [tilespmem:s31], [sflag:$0x5], $0x80, s30, s7, $0xb8;
	[tilespmem:$0x1CA00] =	vst v63  }
0x3c: {  	_ =	swait.ge [sflag:s20], $0x1000  }
0x3d: {  	s8 =	stileid.u32;
	[sflag:s20] =	ssyncset.done $0x0  }
0x3e: {  	s0 =	sshll.u32 s8, $0x6;
	[sflag:s20] =	ssyncadd.s32 $0xFFFFF000  }
0x3f: {  	s2 =	sshrl.u32 s6, $0x3;
	s0 =	sor.u32 $0x1C05, s0;
	[bflag:$0x0] =	sbarrier.arrive $0xFFFF  }
0x40: {  	[hbm:s14], [sflag:s0] =	dma.local [spmem:s2], $0x2700  }
0x41: {  	_ =	swait.ge [sflag:s20], $0x2700  }
0x42: {  	s4 =	sadd.s32 $0x1, s4;
	[sflag:s20] =	ssyncset.done $0x0  }
0x43: {  	p2 =	sne.s32 s4, s16;
	s2 =	sshrl.u32 @!p1 s11, $0x3;
	[sflag:s20] =	ssyncadd.s32 $0xFFFFD900  }
0x44: {  	[hbm:s15], [sflag:s0] =	dma.local @!p1 [spmem:s2], $0x100  }
.Ltmp1:
0x45: {  	_ = 	snop;
	(pc) =	sbr.rel @!p2 .LBB2_11-.Ltmp1, $4  }
0x46: {  	s0 =	simm.s32 @!p1 $0x5  }
0x47: {  	_ =	swait.ge @!p1 [sflag:s0], $0x100  }
0x48: {  	[sflag:s0] =	ssyncset.done @!p1 $0x0  }
0x49: {  	[sflag:s0] =	ssyncadd.s32 @!p1 $0xFFFFFF00  }
.LBB2_1:
0x4a: {  	s0 =	simm.s32 $0x0;
	s5 =	simm.s32 $0x200  }
.LBB2_2:
0x4b: {  	p2 =	sne.s32 s5, $0xFE00;
	[tilespmem:s0+$0x70] =	vst v0  }
0x4c: {  	[tilespmem:s0+$0x0] =	vst v0  }
0x4d: {  	[tilespmem:s0+$0x10] =	vst v0  }
.Ltmp2:
0x4e: {  	[tilespmem:s0+$0x20] =	vst v0;
	(pc) =	sbr.rel @p2 .LBB2_2-.Ltmp2, $4  }
0x4f: {  	[tilespmem:s0+$0x30] =	vst v0  }
0x50: {  	[tilespmem:s0+$0x40] =	vst v0  }
0x51: {  	[tilespmem:s0+$0x50] =	vst v0  }
0x52: {  	[tilespmem:s0+$0x60] =	vst v0;
	s0 =	sshra.s32 s5, $0x2;
	s5 =	sadd.s32 $0x200, s5  }
0x53: {  	[tilespmem:s0+$0x70] =	vst v0  }
0x54: {  	[tilespmem:s0+$0x0] =	vst v0  }
0x55: {  	[tilespmem:s0+$0x10] =	vst v0  }
0x56: {  	[tilespmem:s0+$0x20] =	vst v0  }
0x57: {  	[tilespmem:s0+$0x30] =	vst v0  }
0x58: {  	[tilespmem:s0+$0x40] =	vst v0  }
0x59: {  	[tilespmem:s0+$0x50] =	vst v0  }
0x5a: {  	[tilespmem:s0+$0x60] =	vst v0  }
0x5b: {  	[spmem:s6] =	stream.linear.scatter [tilespmem:s3], [sflag:$0x5], $0x4000, $0x38;
	[tilespmem:$0x1CA00] =	vst v63  }
0x5c: {  	_ =	swait.ge [sflag:s20], $0x4000  }
0x5d: {  	[sflag:s20] =	ssyncset.done $0x0  }
0x5e: {  	s7 =	rddreg [dreg:$0x5];
	[sflag:s20] =	ssyncadd.s32 $0xFFFFC000  }
0x5f: {  	[spmem:s7] =	stream.linear.scatter [tilespmem:s3], [sflag:$0x5], $0x4000, $0x38;
	[tilespmem:$0x1CA00] =	vst v63  }
0x60: {  	_ =	swait.ge [sflag:s20], $0x4000  }
0x61: {  	[sflag:s20] =	ssyncset.done $0x0  }
0x62: {  	s8 =	rddreg [dreg:$0x6];
	[sflag:s20] =	ssyncadd.s32 $0xFFFFC000  }
0x63: {  	[spmem:s8] =	stream.linear.scatter [tilespmem:s3], [sflag:$0x5], $0x4000, $0x38;
	[tilespmem:$0x1CA00] =	vst v63  }
0x64: {  	_ =	swait.ge [sflag:s20], $0x4000  }
0x65: {  	[sflag:s20] =	ssyncset.done $0x0  }
0x66: {  	[sflag:s20] =	ssyncadd.s32 $0xFFFFC000  }
0x67: {  	[spmem:s9] =	stream.linear.scatter [tilespmem:s3], [sflag:$0x5], $0x4000, $0x38;
	[tilespmem:$0x1CA00] =	vst v63  }
0x68: {  	_ =	swait.ge [sflag:s20], $0x4000  }
0x69: {  	[sflag:s20] =	ssyncset.done $0x0  }
0x6a: {  	[sflag:s20] =	ssyncadd.s32 $0xFFFFC000  }
0x6b: {  	[spmem:s10] =	stream.linear.scatter [tilespmem:s3], [sflag:$0x5], $0x3800, $0x38;
	[tilespmem:$0x1CA00] =	vst v63  }
0x6c: {  	_ =	swait.ge [sflag:s20], $0x3800  }
0x6d: {  	[sflag:s20] =	ssyncset.done $0x0  }
0x6e: {  	s0 =	simm.s32 @!p1 $0x0;
	[sflag:s20] =	ssyncadd.s32 $0xFFFFC800  }
0x6f: {  	[spmem:s11] =	stream.linear.scatter @!p1 [tilespmem:s0], [sflag:$0x5], $0x800, $0x38;
	[tilespmem:$0x1CA00] =	vst v63  }
0x70: {  	s0 =	simm.s32 @!p1 $0x5  }
.Ltmp3:
0x71: {  	_ =	swait.ge @!p1 [sflag:s0], $0x800;
	(pc) =	sbr.rel @!p0 .LBB2_4-.Ltmp3, $4  }
0x72: {  	[sflag:s0] =	ssyncset.done @!p1 $0x0  }
0x73: {  	[sflag:s0] =	ssyncadd.s32 @!p1 $0xFFFFF800  }
0x74: {  	[bflag:$0x0] =	sbarrier.arrive $0xFFFF  }
0x75: {  	s0 =	sadd.s32 $0x0, s18  }
0x76: {  	[tilespmem:s21], [sflag:$0x1] =	stream.linear.gather [hbm4b:s0+s3], $0x80, $0x38;
	[tilespmem:$0x1CA00] =	vst v63  }
0x77: {  	_ = 	snop  }
0x78: {  	[tilespmem:s3], [sflag:$0x2] =	stream.linear.gather [hbm4b:s19+s3], $0x4000, $0x38;
	[tilespmem:$0x1CA00] =	vst v63  }
0x79: {  	s7 =	sadd.s32 $0x10, s0  }
0x7a: {  	[tilespmem:s22], [sflag:$0x3] =	stream.linear.gather [hbm4b:s7+s3], $0x80, $0x38;
	[tilespmem:$0x1CA00] =	vst v63  }
0x7b: {  	s8 =	sadd.s32 $0x800, s19  }
0x7c: {  	[tilespmem:s23], [sflag:$0x4] =	stream.linear.gather [hbm4b:s8+s3], $0x4000, $0x38;
	[tilespmem:$0x1CA00] =	vst v63  }
0x7d: {  	_ =	swait.ge [sflag:s24], $0x80  }
0x7e: {  	[sflag:s24] =	ssyncset.done $0x0  }
0x7f: {  	[sflag:s24] =	ssyncadd.s32 $0xFFFFFF80  }
0x80: {  	_ =	swait.ge [sflag:s25], $0x4000  }
0x81: {  	[sflag:s25] =	ssyncset.done $0x0  }
0x82: {  	[sflag:s25] =	ssyncadd.s32 $0xFFFFC000  }
0x83: {  	[spmem:s1] =	stream.indirect.scatter.add.f32 [tilespmem:s3], [sflag:$0x5], $0x80, s21, s26, $0xb8;
	[tilespmem:$0x1CA00] =	vst v63  }
0x84: {  	_ =	swait.ge [sflag:s20], $0x4000  }
0x85: {  	[sflag:s20] =	ssyncset.done $0x0  }
0x86: {  	[sflag:s20] =	ssyncadd.s32 $0xFFFFC000  }
0x87: {  	_ =	swait.ge [sflag:s28], $0x80  }
0x88: {  	[sflag:s28] =	ssyncset.done $0x0  }
0x89: {  	[sflag:s28] =	ssyncadd.s32 $0xFFFFFF80  }
0x8a: {  	_ =	swait.ge [sflag:s29], $0x4000  }
0x8b: {  	[sflag:s29] =	ssyncset.done $0x0  }
0x8c: {  	[sflag:s29] =	ssyncadd.s32 $0xFFFFC000  }
0x8d: {  	[spmem:s1] =	stream.indirect.scatter.add.f32 [tilespmem:s23], [sflag:$0x5], $0x80, s22, s26, $0xb8;
	[tilespmem:$0x1CA00] =	vst v63  }
0x8e: {  	s0 =	simm.s32 $0x20;
	_ =	swait.ge [sflag:s20], $0x4000  }
0x8f: {  	s2 =	simm.s32 $0x40;
	s5 =	sadd.s32 $0x1000, s19;
	[sflag:s20] =	ssyncset.done $0x0  }
.LBB2_8:
0x90: {  	s7 =	sadd.s32 s0, s18  }
0x91: {  	[sflag:s20] =	ssyncadd.s32 $0xFFFFC000;
	s0 =	smov.u32 s2;
	s8 =	sadd.s32 $0x20, s2  }
0x92: {  	[tilespmem:s21], [sflag:$0x1] =	stream.linear.gather [hbm4b:s7+s3], $0x80, $0x38;
	[tilespmem:$0x1CA00] =	vst v63  }
0x93: {  	p2 =	sne.s32 s2, $0x9A0  }
0x94: {  	[tilespmem:s3], [sflag:$0x2] =	stream.linear.gather [hbm4b:s5+s3], $0x4000, $0x38;
	[tilespmem:$0x1CA00] =	vst v63  }
0x95: {  	s2 =	sadd.s32 $0x10, s7  }
0x96: {  	[tilespmem:s22], [sflag:$0x3] =	stream.linear.gather [hbm4b:s2+s3], $0x80, $0x38;
	[tilespmem:$0x1CA00] =	vst v63  }
0x97: {  	s2 =	sadd.s32 $0x800, s5  }
0x98: {  	[tilespmem:s23], [sflag:$0x4] =	stream.linear.gather [hbm4b:s2+s3], $0x4000, $0x38;
	[tilespmem:$0x1CA00] =	vst v63  }
0x99: {  	_ =	swait.ge [sflag:s24], $0x80  }
0x9a: {  	[sflag:s24] =	ssyncset.done $0x0  }
0x9b: {  	[sflag:s24] =	ssyncadd.s32 $0xFFFFFF80  }
0x9c: {  	_ =	swait.ge [sflag:s25], $0x4000  }
0x9d: {  	[sflag:s25] =	ssyncset.done $0x0  }
0x9e: {  	[sflag:s25] =	ssyncadd.s32 $0xFFFFC000  }
0x9f: {  	[spmem:s1] =	stream.indirect.scatter.add.f32 [tilespmem:s3], [sflag:$0x5], $0x80, s21, s26, $0xb8;
	[tilespmem:$0x1CA00] =	vst v63  }
0xa0: {  	_ =	swait.ge [sflag:s20], $0x4000  }
0xa1: {  	[sflag:s20] =	ssyncset.done $0x0  }
0xa2: {  	[sflag:s20] =	ssyncadd.s32 $0xFFFFC000  }
0xa3: {  	_ =	swait.ge [sflag:s28], $0x80  }
0xa4: {  	[sflag:s28] =	ssyncset.done $0x0  }
0xa5: {  	[sflag:s28] =	ssyncadd.s32 $0xFFFFFF80  }
0xa6: {  	_ =	swait.ge [sflag:s29], $0x4000  }
.Ltmp4:
0xa7: {  	[sflag:s29] =	ssyncset.done $0x0;
	(pc) =	sbr.rel @p2 .LBB2_8-.Ltmp4, $4  }
0xa8: {  	[sflag:s29] =	ssyncadd.s32 $0xFFFFC000  }
0xa9: {  	[spmem:s1] =	stream.indirect.scatter.add.f32 [tilespmem:s23], [sflag:$0x5], $0x80, s22, s26, $0xb8;
	[tilespmem:$0x1CA00] =	vst v63  }
0xaa: {  	_ =	swait.ge [sflag:s20], $0x4000  }
0xab: {  	s5 =	sadd.s32 $0x1000, s5;
	s2 =	smov.u32 s8;
	[sflag:s20] =	ssyncset.done $0x0  }
0xac: {  	s0 =	sadd.s32 s0, s18;
	[sflag:s20] =	ssyncadd.s32 $0xFFFFC000  }
0xad: {  	[tilespmem:s21], [sflag:$0x1] =	stream.linear.gather [hbm4b:s0+s3], $0x80, $0x38;
	[tilespmem:$0x1CA00] =	vst v63  }
0xae: {  	_ = 	snop  }
0xaf: {  	[tilespmem:s3], [sflag:$0x2] =	stream.linear.gather [hbm4b:s5+s3], $0x4000, $0x38;
	[tilespmem:$0x1CA00] =	vst v63  }
0xb0: {  	s0 =	sadd.s32 $0x10, s0  }
0xb1: {  	[tilespmem:s22], [sflag:$0x3] =	stream.linear.gather [hbm4b:s0+s3], $0x80, $0x38;
	[tilespmem:$0x1CA00] =	vst v63  }
0xb2: {  	s8 =	sadd.s32 $0x800, s5  }
0xb3: {  	[tilespmem:s23], [sflag:$0x4] =	stream.linear.gather [hbm4b:s8+s3], $0x4000, $0x38;
	[tilespmem:$0x1CA00] =	vst v63  }
0xb4: {  	_ =	swait.ge [sflag:s24], $0x80  }
0xb5: {  	[sflag:s24] =	ssyncset.done $0x0  }
0xb6: {  	[sflag:s24] =	ssyncadd.s32 $0xFFFFFF80  }
0xb7: {  	_ =	swait.ge [sflag:s25], $0x4000  }
0xb8: {  	[sflag:s25] =	ssyncset.done $0x0  }
0xb9: {  	[sflag:s25] =	ssyncadd.s32 $0xFFFFC000  }
0xba: {  	[spmem:s1] =	stream.indirect.scatter.add.f32 [tilespmem:s3], [sflag:$0x5], $0x80, s21, s26, $0xb8;
	[tilespmem:$0x1CA00] =	vst v63  }
0xbb: {  	_ =	swait.ge [sflag:s20], $0x4000  }
0xbc: {  	[sflag:s20] =	ssyncset.done $0x0  }
0xbd: {  	[sflag:s20] =	ssyncadd.s32 $0xFFFFC000  }
0xbe: {  	_ =	swait.ge [sflag:s28], $0x80  }
0xbf: {  	[sflag:s28] =	ssyncset.done $0x0  }
0xc0: {  	[sflag:s28] =	ssyncadd.s32 $0xFFFFFF80  }
0xc1: {  	_ =	swait.ge [sflag:s29], $0x4000  }
0xc2: {  	[sflag:s29] =	ssyncset.done $0x0  }
.Ltmp5:
0xc3: {  	[sflag:s29] =	ssyncadd.s32 $0xFFFFC000;
	(pc) =	sbr.rel .LBB2_10-.Ltmp5, $4  }
0xc4: {  	[spmem:s1] =	stream.indirect.scatter.add.f32 [tilespmem:s23], [sflag:$0x5], $0x80, s22, s26, $0xb8;
	[tilespmem:$0x1CA00] =	vst v63  }
0xc5: {  	_ =	swait.ge [sflag:s20], $0x4000  }
0xc6: {  	[sflag:s20] =	ssyncset.done $0x0  }
0xc7: {  	s0 =	rddreg [dreg:$0x4];
	[sflag:s20] =	ssyncadd.s32 $0xFFFFC000  }
.LBB2_4:
0xc8: {  	[tilespmem:s21], [sflag:$0x1] =	stream.linear.gather [hbm4b:s0+s3], $0x80, $0x38;
	[tilespmem:$0x1CA00] =	vst v63  }
0xc9: {  	_ = 	snop  }
0xca: {  	[tilespmem:s3], [sflag:$0x2] =	stream.linear.gather [hbm4b:s17+s3], $0x4000, $0x38;
	[tilespmem:$0x1CA00] =	vst v63  }
0xcb: {  	s7 =	sadd.s32 $0x10, s0  }
0xcc: {  	[tilespmem:s22], [sflag:$0x3] =	stream.linear.gather [hbm4b:s7+s3], $0x80, $0x38;
	[tilespmem:$0x1CA00] =	vst v63  }
0xcd: {  	s8 =	sadd.s32 $0x800, s17  }
0xce: {  	[tilespmem:s23], [sflag:$0x4] =	stream.linear.gather [hbm4b:s8+s3], $0x4000, $0x38;
	[tilespmem:$0x1CA00] =	vst v63  }
0xcf: {  	_ =	swait.ge [sflag:s24], $0x80  }
0xd0: {  	[sflag:s24] =	ssyncset.done $0x0  }
0xd1: {  	[sflag:s24] =	ssyncadd.s32 $0xFFFFFF80  }
0xd2: {  	_ =	swait.ge [sflag:s25], $0x4000  }
0xd3: {  	[sflag:s25] =	ssyncset.done $0x0  }
0xd4: {  	[sflag:s25] =	ssyncadd.s32 $0xFFFFC000  }
0xd5: {  	[spmem:s1] =	stream.indirect.scatter.add.f32 [tilespmem:s3], [sflag:$0x5], $0x80, s21, s26, $0xb8;
	[tilespmem:$0x1CA00] =	vst v63  }
0xd6: {  	_ =	swait.ge [sflag:s20], $0x4000  }
0xd7: {  	[sflag:s20] =	ssyncset.done $0x0  }
0xd8: {  	[sflag:s20] =	ssyncadd.s32 $0xFFFFC000  }
0xd9: {  	_ =	swait.ge [sflag:s28], $0x80  }
0xda: {  	[sflag:s28] =	ssyncset.done $0x0  }
0xdb: {  	[sflag:s28] =	ssyncadd.s32 $0xFFFFFF80  }
0xdc: {  	_ =	swait.ge [sflag:s29], $0x4000  }
0xdd: {  	[sflag:s29] =	ssyncset.done $0x0  }
0xde: {  	[sflag:s29] =	ssyncadd.s32 $0xFFFFC000  }
0xdf: {  	[spmem:s1] =	stream.indirect.scatter.add.f32 [tilespmem:s23], [sflag:$0x5], $0x80, s22, s26, $0xb8;
	[tilespmem:$0x1CA00] =	vst v63  }
0xe0: {  	s0 =	simm.s32 $0x20;
	_ =	swait.ge [sflag:s20], $0x4000  }
0xe1: {  	s2 =	simm.s32 $0x40;
	s5 =	sadd.s32 $0x1000, s17;
	[sflag:s20] =	ssyncset.done $0x0  }
.LBB2_5:
0xe2: {  	s7 =	sadd.s32 s0, s18  }
0xe3: {  	[sflag:s20] =	ssyncadd.s32 $0xFFFFC000;
	s0 =	smov.u32 s2;
	s8 =	sadd.s32 $0x20, s2  }
0xe4: {  	[tilespmem:s21], [sflag:$0x1] =	stream.linear.gather [hbm4b:s7+s3], $0x80, $0x38;
	[tilespmem:$0x1CA00] =	vst v63  }
0xe5: {  	p2 =	seq.s32 s2, $0x9A0  }
0xe6: {  	[tilespmem:s3], [sflag:$0x2] =	stream.linear.gather [hbm4b:s5+s3], $0x4000, $0x38;
	[tilespmem:$0x1CA00] =	vst v63  }
0xe7: {  	s2 =	sadd.s32 $0x10, s7  }
0xe8: {  	[tilespmem:s22], [sflag:$0x3] =	stream.linear.gather [hbm4b:s2+s3], $0x80, $0x38;
	[tilespmem:$0x1CA00] =	vst v63  }
0xe9: {  	s2 =	sadd.s32 $0x800, s5  }
0xea: {  	[tilespmem:s23], [sflag:$0x4] =	stream.linear.gather [hbm4b:s2+s3], $0x4000, $0x38;
	[tilespmem:$0x1CA00] =	vst v63  }
0xeb: {  	_ =	swait.ge [sflag:s24], $0x80  }
0xec: {  	[sflag:s24] =	ssyncset.done $0x0  }
0xed: {  	[sflag:s24] =	ssyncadd.s32 $0xFFFFFF80  }
0xee: {  	_ =	swait.ge [sflag:s25], $0x4000  }
0xef: {  	[sflag:s25] =	ssyncset.done $0x0  }
0xf0: {  	[sflag:s25] =	ssyncadd.s32 $0xFFFFC000  }
0xf1: {  	[spmem:s1] =	stream.indirect.scatter.add.f32 [tilespmem:s3], [sflag:$0x5], $0x80, s21, s26, $0xb8;
	[tilespmem:$0x1CA00] =	vst v63  }
0xf2: {  	_ =	swait.ge [sflag:s20], $0x4000  }
0xf3: {  	[sflag:s20] =	ssyncset.done $0x0  }
0xf4: {  	[sflag:s20] =	ssyncadd.s32 $0xFFFFC000  }
0xf5: {  	_ =	swait.ge [sflag:s28], $0x80  }
0xf6: {  	[sflag:s28] =	ssyncset.done $0x0  }
0xf7: {  	[sflag:s28] =	ssyncadd.s32 $0xFFFFFF80  }
0xf8: {  	_ =	swait.ge [sflag:s29], $0x4000  }
.Ltmp6:
0xf9: {  	[sflag:s29] =	ssyncset.done $0x0;
	(pc) =	sbr.rel @!p2 .LBB2_5-.Ltmp6, $4  }
0xfa: {  	[sflag:s29] =	ssyncadd.s32 $0xFFFFC000  }
0xfb: {  	[spmem:s1] =	stream.indirect.scatter.add.f32 [tilespmem:s23], [sflag:$0x5], $0x80, s22, s26, $0xb8;
	[tilespmem:$0x1CA00] =	vst v63  }
0xfc: {  	_ =	swait.ge [sflag:s20], $0x4000  }
0xfd: {  	s5 =	sadd.s32 $0x1000, s5;
	s2 =	smov.u32 s8;
	[sflag:s20] =	ssyncset.done $0x0  }
.Ltmp7:
0xfe: {  	_ = 	snop;
	(pc) =	sbr.rel .LBB2_6-.Ltmp7, $1  }
0xff: {  	_ =	sdelay $0x3  }
.LBB2_11:
0x100: {  	_ =	sfence.sel $0x180000  }
0x101: {  	[bflag:$0x0] =	sbarrier.arrive $0xFFFF  }
0x102: {  	_ =	strace $0x9000004A  }
0x103: {  	s0 =	stileid.u32;
	[bflag:$0x2] =	sbarrier.arrive $0xFFFF  }
0x104: {  	p0 =	sne.s32 s0, $0x0;
	s0 =	rddreg [dreg:$0x2]  }
0x105: {  	s0 =	sadd.s32 @!p0 $0x100000, s0  }
0x106: {  	[sflag:s0] =	ssyncadd.tile.s32 @!p0 $0x1;
	_ =	shalt  }
.Lfunc_end2:
_tile_overlayer_lowered:
.L_overlay_start_2:
0x107: {  	(tag) =	ssettag $0x2  }
0x108: {  	s0 =	rddreg [dreg:$0x0];
	s2 =	stileid.u32  }
0x109: {  	s1 =	rddreg [dreg:$0x1];
	p0 =	sne.s32 s2, $0x0  }
0x10a: {  	s3 =	rddreg [dreg:$0x2];
	[bflag:$0x3] =	sbarrier.arrive $0xFFFF;
	s2 =	simm.s32 @!p0 $0x1C05  }
0x10b: {  	[timem:s3], [sflag:s2] =	dma.local @!p0 [hbm:s0], s1  }
0x10c: {  	s0 =	simm.s32 @!p0 $0x5  }
0x10d: {  	_ =	swait.ge @!p0 [sflag:s0], s1  }
0x10e: {  	s1 =	ssub.s32 @!p0 $0x0, s1;
	[sflag:s0] =	ssyncset.done @!p0 $0x0  }
0x10f: {  	[sflag:s0] =	ssyncadd.s32 @!p0 s1  }
0x110: {  	[bflag:$0x3] =	sbarrier.arrive $0xFFFF  }
0x111: {  	_ =	shalt  }

// kernel: kernel.7.cloned.1.call-start
scs
__scs_entry_jumppad:
0x0: {  	(pc) =	sbr.rel $0x88, $3  }
0x1: {  	(tag) =	ssettag $0x0;
	lr =	simm.s32 $0x1  }
0x2: {  	[smem:$0x3F95] =	sst lr;
	_ =	strace $0xD0000000  }
0x3: {  	_ = 	snop  }
0x4: {  	_ = 	snop  }
0x5: {  	_ = 	snop  }
0x6: {  	_ = 	snop  }
0x7: {  	_ = 	snop  }
__scs_overlays_trampoline_lowered:
0x8: {  	[smem:$0x3FA4] =	sst s0  }
0x9: {  	[smem:$0x3FA5] =	sst s1  }
0xa: {  	[smem:$0x3FA6] =	sst s2  }
0xb: {  	[smem:$0x3FA7] =	sst s3  }
0xc: {  	[smem:$0x3FA8] =	sst s4  }
0xd: {  	[smem:$0x3FA9] =	sst s5  }
0xe: {  	[smem:$0x3FAA] =	sst s6  }
0xf: {  	[smem:$0x3FAB] =	sst s7  }
0x10: {  	[smem:$0x3FAC] =	sst s8  }
0x11: {  	[smem:$0x3FAD] =	sst s9;
	s0 =	simm.s32 @!p0 $0x0  }
0x12: {  	s1 =	sld [smem:$0x3F93];
	s0 =	simm.s32 @p0 $0x1  }
0x13: {  	[smem:$0x3FAE] =	sst s0;
	s0 =	simm.s32 @!p1 $0x0  }
0x14: {  	s2 =	sld [smem:$0x3F92];
	s0 =	simm.s32 @p1 $0x1  }
0x15: {  	[smem:$0x3FAF] =	sst s0;
	s0 =	simm.s32 @!p2 $0x0  }
0x16: {  	s3 =	sld [smem:$0x3FDB];
	s0 =	simm.s32 @p2 $0x1  }
0x17: {  	s4 =	simm.s32 $0x1BF5;
	[smem:$0x3FB1] =	sst s0  }
0x18: {  	s0 =	sld [smem:$0x3F94];
	_ =	swait.ge [sflag:s4], $0x0  }
0x19: {  	s7 =	sld [smem:$0x3F95]  }
0x1a: {  	s8 =	sadd.s32 $0xFFFFE003, lr  }
0x1b: {  	s9 =	sadd.s32 $0xFFFFFEF7, lr;
	s5 =	simm.s32 $0xFFFFFFFF;
	p2 =	slt.u32 s8, $0xFFFFF086  }
0x1c: {  	p1 =	slt.u32 s9, $0xF7A;
	s5 =	simm.s32 @!p2 $0x0  }
0x1d: {  	s5 =	simm.s32 @p1 $0x1;
	p0 =	seq.s32 s7, s2  }
0x1e: {  	s7 =	smul.u32 @!p0 $0xF7A, s2;
	p2 =	seq.s32 @!p0 s5, $0x0  }
0x1f: {  	s9 =	smul.u32 $0xF7A, s1;
	s8 =	simm.s32 @!p0 $0x1BF5;
	p2 =	por !p2, p0  }
0x20: {  	[sflag:s8] =	ssyncset.s32 @!p0 $0xFFFFF086;
	s6 =	sadd.s32 @!p0 s3, s7;
	s7 =	simm.s32 @!p0 $0x108  }
0x21: {  	s3 =	sadd.s32 s3, s9;
	s6 =	sadd.s32 @!p0 $0x88, s6;
	s7 =	simm.s32 @p2 $0x1082  }
0x22: {  	[simem:s7], [sflag:s8] =	dma.local @!p0 [hbm:s6], $0xF7A  }
0x23: {  	s9 =	sor.u32 $0xD0000000, s2;
	s6 =	simm.s32 $0x108;
	_ =	swait.ge @!p0 [sflag:s8], $0x0  }
0x24: {  	s3 =	sadd.s32 $0x88, s3;
	s6 =	simm.s32 @!p1 $0x1082;
	[sflag:s4] =	ssyncset.s32 $0xFFFFF086  }
0x25: {  	[simem:s6], [sflag:s4] =	dma.local [hbm:s3], $0xF7A  }
0x26: {  	[smem:$0x3F95] =	sst s1;
	(tag) =	ssettag s2;
	_ =	strace s9  }
0x27: {  	s1 =	sld [smem:$0x3FA5]  }
0x28: {  	s2 =	sld [smem:$0x3FA6]  }
0x29: {  	s4 =	sld [smem:$0x3FA8]  }
0x2a: {  	p0 =	seq.s32 s5, $0x0;
	s5 =	sld [smem:$0x3FA9]  }
0x2b: {  	s6 =	sld [smem:$0x3FAA]  }
0x2c: {  	s7 =	sld [smem:$0x3FAB]  }
0x2d: {  	s3 =	simm.s32 $0x108;
	s8 =	sld [smem:$0x3FAC]  }
0x2e: {  	s3 =	simm.s32 @!p0 $0x1082;
	s9 =	sld [smem:$0x3FAD]  }
0x2f: {  	lr =	sadd.s32 s0, s3;
	s0 =	sld [smem:$0x3FA4]  }
0x30: {  	s3 =	sld [smem:$0x3FA7]  }
0x31: {  	[smem:$0x3FB0] =	sst s10  }
0x32: {  	s10 =	sld [smem:$0x3FAE];
	_ =	sdelay $0x3  }
0x33: {  	p0 =	seq.s32 s10, $0x1;
	s10 =	sld [smem:$0x3FB0];
	_ =	sdelay $0x3  }
0x34: {  	[smem:$0x3FB0] =	sst s10  }
0x35: {  	s10 =	sld [smem:$0x3FAF];
	_ =	sdelay $0x3  }
0x36: {  	p1 =	seq.s32 s10, $0x1;
	s10 =	sld [smem:$0x3FB0];
	_ =	sdelay $0x3  }
0x37: {  	[smem:$0x3FB0] =	sst s10  }
0x38: {  	s10 =	sld [smem:$0x3FB1]  }
0x39: {  	_ = 	snop;
	(pc) =	sbr.ind lr, $3  }
0x3a: {  	_ = 	snop  }
0x3b: {  	_ = 	snop  }
0x3c: {  	p2 =	seq.s32 s10, $0x1;
	s10 =	sld [smem:$0x3FB0]  }
0x3d: {  	_ =	shalt  }
0x3e: {  	_ =	shalt  }
0x3f: {  	_ =	shalt  }
0x40: {  	_ =	shalt  }
0x41: {  	_ =	shalt  }
0x42: {  	_ =	shalt  }
0x43: {  	_ =	shalt  }
0x44: {  	_ =	shalt  }
0x45: {  	_ =	shalt  }
0x46: {  	_ =	shalt  }
0x47: {  	_ =	shalt  }
0x48: {  	_ =	shalt  }
0x49: {  	_ =	shalt  }
0x4a: {  	_ =	shalt  }
0x4b: {  	_ =	shalt  }
0x4c: {  	_ =	shalt  }
0x4d: {  	_ =	shalt  }
0x4e: {  	_ =	shalt  }
0x4f: {  	_ =	shalt  }
0x50: {  	_ =	shalt  }
0x51: {  	_ =	shalt  }
0x52: {  	_ =	shalt  }
0x53: {  	_ =	shalt  }
0x54: {  	_ =	shalt  }
0x55: {  	_ =	shalt  }
0x56: {  	_ =	shalt  }
0x57: {  	_ =	shalt  }
0x58: {  	_ =	shalt  }
0x59: {  	_ =	shalt  }
0x5a: {  	_ =	shalt  }
0x5b: {  	_ =	shalt  }
0x5c: {  	_ =	shalt  }
0x5d: {  	_ =	shalt  }
0x5e: {  	_ =	shalt  }
0x5f: {  	_ =	shalt  }
0x60: {  	_ =	shalt  }
0x61: {  	_ =	shalt  }
0x62: {  	_ =	shalt  }
0x63: {  	_ =	shalt  }
0x64: {  	_ =	shalt  }
0x65: {  	_ =	shalt  }
0x66: {  	_ =	shalt  }
0x67: {  	_ =	shalt  }
0x68: {  	_ =	shalt  }
0x69: {  	_ =	shalt  }
0x6a: {  	_ =	shalt  }
0x6b: {  	_ =	shalt  }
0x6c: {  	_ =	shalt  }
0x6d: {  	_ =	shalt  }
0x6e: {  	_ =	shalt  }
0x6f: {  	_ =	shalt  }
0x70: {  	_ =	shalt  }
0x71: {  	_ =	shalt  }
0x72: {  	_ =	shalt  }
0x73: {  	_ =	shalt  }
0x74: {  	_ =	shalt  }
0x75: {  	_ =	shalt  }
0x76: {  	_ =	shalt  }
0x77: {  	_ =	shalt  }
0x78: {  	_ =	shalt  }
0x79: {  	_ =	shalt  }
0x7a: {  	_ =	shalt  }
0x7b: {  	_ =	shalt  }
0x7c: {  	_ =	shalt  }
0x7d: {  	_ =	shalt  }
0x7e: {  	_ =	shalt  }
0x7f: {  	_ =	shalt  }
0x80: {  	_ =	shalt  }
0x81: {  	_ =	shalt  }
0x82: {  	_ =	shalt  }
0x83: {  	_ =	shalt  }
0x84: {  	_ =	shalt  }
0x85: {  	_ =	shalt  }
0x86: {  	_ =	shalt  }
0x87: {  	_ =	shalt  }
.Lfunc_end0:
.L_simem_size_0:
called_computation_lowered:
.L_overlay_start_0:
0x88: {  	s2 =	sld [smem:$0x3FD9]  }
0x89: {  	s3 =	sld [smem:$0x3FFE];
	_ =	sdelay $0x1  }
0x8a: {  	s1 =	srdreg.scid  }
0x8b: {  	s0 =	sand.u32 $0x1, s1  }
0x8c: {  	s17 =	sshll.u32 s0, $0xA;
	s2 =	sadd.s32 s3, s2  }
0x8d: {  	s2 =	sadd.s32 s2, s17  }
0x8e: {  	[smem:$0x3FBC] =	sst s2  }
0x8f: {  	_ = 	snop  }
0x90: {  	s2 =	sld [smem:$0x3FD0];
	(tm) =	ssettm $0x1  }
0x91: {  	s18 =	sld [smem:$0x3FFB];
	_ =	sdelay $0x3  }
0x92: {  	_ =	strace s18  }
0x93: {  	s3 =	sld [smem:$0x3FFC];
	_ =	sdelay $0x3  }
0x94: {  	_ =	strace s3  }
0x95: {  	s3 =	sld [smem:$0x3FFD];
	_ =	sdelay $0x3  }
0x96: {  	_ =	strace s3  }
0x97: {  	_ =	strace $0x8FFFFFFF  }
0x98: {  	s19 =	sld [smem:$0x3FDB];
	_ =	sdelay $0x1  }
0x99: {  	s4 =	simm.s32 $_scs_section_size  }
0x9a: {  	s5 =	simm.s32 $_size__tile_overlayer_lowered;
	s6 =	simm.s32 $_tile_overlayer_lowered  }
0x9b: {  	s22 =	simm.s32 $0x1BFF;
	s21 =	sshll.u32 s6, $0x1;
	s3 =	sadd.s32 s4, s19  }
0x9c: {  	s7 =	simm.s32 $0x0;
	s20 =	sshll.u32 s5, $0x1;
	s5 =	sadd.s32 s21, s3  }
0x9d: {  	[timem:s7], [sflag:s22] =	dma.local [hbm:s5], s20  }
0x9e: {  	_ =	swait.ge [sflag:s22], s20  }
0x9f: {  	s4 =	ssub.s32 $0x0, s20;
	[sflag:s22] =	ssyncset.done $0x0  }
0xa0: {  	[sflag:s22] =	ssyncadd.s32 s4;
	_ =	sdelay $0x1  }
0xa1: {  	s23 =	simm.s32 $0x1B8B  }
0xa2: {  	_ =	swait.ge [sflag:s23], $0x1  }
0xa3: {  	[sflag:s23] =	ssyncset.done $0x0  }
0xa4: {  	s25 =	simm.s32 $0x1B8E;
	s24 =	sld [smem:$0x3FFE];
	[sflag:s23] =	ssyncadd.s32 $0xFFFFFFFF  }
0xa5: {  	s26 =	simm.s32 $execute0_lowered;
	[smem:$0x3FD2] =	sst s25  }
0xa6: {  	s5 =	sshll.u32 s26, $0x1;
	_ =	strace $0x80000046;
	[dreg:$0x1] =	wrdreg $0xFFFFFFFF  }
0xa7: {  	s28 =	simm.s32 $_size_execute0_lowered;
	s3 =	sadd.s32 s3, s5;
	[dreg:$0x0] =	wrdreg $0x0  }
0xa8: {  	s5 =	sshll.u32 s28, $0x1;
	[dreg:$0x2] =	wrdreg s3  }
0xa9: {  	[dreg:$0x3] =	wrdreg s5  }
0xaa: {  	[dreg:$0x4] =	wrdreg $0xC0  }
0xab: {  	_ =	task [dreg:s7], $0x5FFFF  }
0xac: {  	[dreg:$0x1] =	wrdreg $0xFFFFFFFF  }
0xad: {  	[dreg:$0x0] =	wrdreg $0x60  }
0xae: {  	[dreg:$0x2] =	wrdreg s2  }
0xaf: {  	[dreg:$0x3] =	wrdreg s24  }
0xb0: {  	[dreg:$0x4] =	wrdreg $0x9  }
0xb1: {  	_ =	task.clear_ibuf [dreg:s7], $0x5FFFF;
	_ =	strace $0x90000046  }
0xb2: {  	s29 =	simm.s32 $0x9;
	_ =	strace $0x80000048  }
0xb3: {  	_ =	swait.ge [sflag:s29], $0x1  }
0xb4: {  	[sflag:s29] =	ssyncadd.s32 $0xFFFFFFFF  }
0xb5: {  	_ =	strace $0x90000048  }
0xb6: {  	_ =	sfence  }
0xb7: {  	s30 =	sld [smem:$0x0];
	_ =	sdelay $0x2  }
0xb8: {  	s31 =	sshll.u32 s1, $0xD;
	s1 =	sshrl.u32 s1, $0x2  }
0xb9: {  	s3 =	sand.u32 $0x4000, s31;
	s1 =	sadd.s32 s1, s30  }
0xba: {  	s0 =	sor.u32 s3, s0;
	s1 =	sshll.u32 s1, $0x11  }
0xbb: {  	s0 =	sor.u32 s1, s0  }
0xbc: {  	s0 =	sadd.s32 $0x8F2B, s0  }
0xbd: {  	[sflag:s0] =	ssyncadd.remote.s32 $0x1  }
0xbe: {  	_ =	sfence.sel $0xFFFF  }
0xbf: {  	[dreg:$0x0] =	wrdreg $0xFFFFFFFF;
	(pc) =	sbr.abs _section_cstart, $3  }
0xc0: {  	[dreg:$0x1] =	wrdreg $0xFFFFFFFF  }
0xc1: {  	_ =	task.clear_ibuf [dreg:s7], $0x2FFFF;
	_ =	strace $0x9FFFFFFF  }
0xc2: {  	(tm) =	ssettm $0x7FFFFFFF  }
0xc3: {  	_ =	shalt  }
tec
execute0_lowered:
.L_overlay_start_1:
0x0: {  	(tag) =	ssettag $0x1  }
0x1: {  	s1 =	rddreg [dreg:$0x0]  }
0x2: {  	s0 =	rddreg [dreg:$0x1];
	s3 =	simm.s32 $0x0;
	s2 =	srdreg.scid  }
0x3: {  	s6 =	stileid.u32;
	s16 =	simm.s32 $0xC000;
	s28 =	simm.s32 $0xC100  }
0x4: {  	s29 =	simm.s32 $0x10100;
	s30 =	simm.s32 $0x14100;
	s31 =	simm.s32 $0x3  }
0x5: {  	[smem:$0x7FF] =	sst s3;
	s2 =	sand.u32 $0x1, s2;
	s5 =	sshll.u32 s6, $0x1  }
0x6: {  	s4 =	sadd.s32 $0x16400, s0;
	s12 =	sadd.s32 $0xC600, s0;
	s13 =	sadd.s32 $0x2800, s0  }
0x7: {  	s8 =	sadd.s32 $0x64800, s0;
	s10 =	sadd.s32 $0x546800, s0;
	s18 =	smul.u32 $0x4E200, s6  }
0x8: {  	s14 =	smul.u32 $0x4E20, s6;
	_ =	strace $0x80000047;
	s7 =	sor.u32 s2, s5  }
0x9: {  	s5 =	sadd.s32 $0x3D600, s0;
	s9 =	ssub.s32 $0x2, s2;
	s20 =	smul.u32 $0x27100, s2  }
0xa: {  	s0 =	sadd.s32 $0xA28800, s0;
	[dreg:$0x6] =	wrdreg s12;
	s2 =	smul.u32 $0x2710, s2  }
0xb: {  	[dreg:$0x7] =	wrdreg s13;
	s7 =	smul.u32 $0x2710, s7;
	s11 =	sshrl.u32 s9, $0x1  }
0xc: {  	s25 =	sadd.s32 s18, s10;
	s9 =	ssub.s32 s9, s11;
	s2 =	sadd.s32 s2, s14  }
0xd: {  	s7 =	sadd.s32 $0x2700, s7;
	s24 =	smax.u32 s9, $0x1;
	s26 =	sadd.s32 $0x80, s2  }
0xe: {  	s14 =	sshrl.u32 s2, $0x3;
	s2 =	simm.s32 $0x6;
	s17 =	sshrl.u32 s7, $0x3  }
0xf: {  	s7 =	sshll.u32 s7, $0x4;
	[dreg:$0xd] =	wrdreg s24;
	s15 =	sshrl.u32 s26, $0x3  }
0x10: {  	s24 =	simm.s32 $0x8000;
	s26 =	simm.s32 $0x5;
	s12 =	sadd.s32 s12, s17  }
0x11: {  	s11 =	sadd.s32 s13, s17;
	s19 =	sadd.s32 s8, s7;
	[dreg:$0x8] =	wrdreg s12  }
0x12: {  	s21 =	sadd.s32 s10, s7;
	s8 =	sadd.s32 s18, s8;
	[dreg:$0x9] =	wrdreg s11  }
0x13: {  	s22 =	sadd.s32 s0, s7;
	s7 =	sadd.s32 s20, s25;
	[dreg:$0xa] =	wrdreg s19  }
0x14: {  	s0 =	sadd.s32 s18, s0;
	s17 =	simm.s32 $0xC080;
	[dreg:$0xb] =	wrdreg s21  }
0x15: {  	s18 =	simm.s32 $0x18100;
	s25 =	simm.s32 $0x4;
	[dreg:$0xc] =	wrdreg s22  }
0x16: {  	s23 =	sadd.s32 s20, s8;
	[dreg:$0x4] =	wrdreg s7;
	s0 =	sadd.s32 s20, s0  }
0x17: {  	s19 =	simm.s32 $0x18180;
	s20 =	simm.s32 $0x1;
	s21 =	simm.s32 $0x2  }
0x18: {  	s22 =	simm.s32 $0x80;
	s7 =	simm.s32 $0x0;
	[dreg:$0x3] =	wrdreg s23  }
0x19: {  	[dreg:$0x5] =	wrdreg s0;
	s23 =	simm.s32 $0x4000;
	s0 =	simm.s32 $0x7  }
.LBB2_1:
0x1a: {  	s6 =	rddreg [dreg:$0x6]  }
0x1b: {  	s8 =	rddreg [dreg:$0x7];
	s12 =	sadd.s32 s6, s14  }
0x1c: {  	[tilespmem:s16], [sflag:$0x1] =	stream.linear.gather [hbm4b:s12+s3], $0x80, $0x38;
	[tilespmem:$0x19B00] =	vst v63  }
0x1d: {  	s13 =	sadd.s32 s8, s14  }
0x1e: {  	[tilespmem:s17], [sflag:$0x2] =	stream.linear.gather [hbm4b:s13+s3], $0x80, $0x38;
	[tilespmem:$0x19B00] =	vst v63  }
0x1f: {  	s9 =	sadd.s32 s6, s15  }
0x20: {  	[tilespmem:s18], [sflag:$0x4] =	stream.linear.gather [hbm4b:s9+s3], $0x80, $0x38;
	[tilespmem:$0x19B00] =	vst v63  }
0x21: {  	[dreg:$0xe] =	wrdreg s7;
	s10 =	sadd.s32 s8, s15  }
0x22: {  	[tilespmem:s19], [sflag:$0x5] =	stream.linear.gather [hbm4b:s10+s3], $0x80, $0x38;
	[tilespmem:$0x19B00] =	vst v63  }
0x23: {  	_ =	swait.ge [sflag:s20], $0x80  }
0x24: {  	[sflag:s20] =	ssyncset.done $0x0  }
0x25: {  	[sflag:s20] =	ssyncadd.s32 $0xFFFFFF80  }
0x26: {  	_ =	swait.ge [sflag:s21], $0x80  }
0x27: {  	[sflag:s21] =	ssyncset.done $0x0  }
0x28: {  	[sflag:s21] =	ssyncadd.s32 $0xFFFFFF80  }
0x29: {  	[tilespmem:s3], [sflag:$0x1] =	stream.indirect.gather [hbm4b:s1+s22], $0x80, s16, s22, $0xb8;
	[tilespmem:$0x19B00] =	vst v63  }
0x2a: {  	_ = 	snop  }
0x2b: {  	[tilespmem:s23], [sflag:$0x2] =	stream.indirect.gather [hbm4b:s4+s22], $0x80, s17, s22, $0xb8;
	[tilespmem:$0x19B00] =	vst v63  }
0x2c: {  	_ = 	snop  }
0x2d: {  	[tilespmem:s24], [sflag:$0x3] =	stream.indirect.gather [hbm4b:s5+s22], $0x80, s17, s22, $0xb8;
	[tilespmem:$0x19B00] =	vst v63  }
0x2e: {  	_ =	swait.ge [sflag:s25], $0x80  }
0x2f: {  	[sflag:s25] =	ssyncset.done $0x0  }
0x30: {  	[sflag:s25] =	ssyncadd.s32 $0xFFFFFF80  }
0x31: {  	_ =	swait.ge [sflag:s26], $0x80  }
0x32: {  	[sflag:s26] =	ssyncset.done $0x0  }
0x33: {  	[sflag:s26] =	ssyncadd.s32 $0xFFFFFF80  }
0x34: {  	[tilespmem:s28], [sflag:$0x4] =	stream.indirect.gather [hbm4b:s1+s22], $0x80, s18, s22, $0xb8;
	[tilespmem:$0x19B00] =	vst v63  }
0x35: {  	_ = 	snop  }
0x36: {  	[tilespmem:s29], [sflag:$0x5] =	stream.indirect.gather [hbm4b:s4+s22], $0x80, s19, s22, $0xb8;
	[tilespmem:$0x19B00] =	vst v63  }
0x37: {  	_ = 	snop  }
0x38: {  	[tilespmem:s30], [sflag:$0x6] =	stream.indirect.gather [hbm4b:s5+s22], $0x80, s19, s22, $0xb8;
	[tilespmem:$0x19B00] =	vst v63  }
0x39: {  	_ =	swait.ge [sflag:s20], $0x4000  }
0x3a: {  	[sflag:s20] =	ssyncset.done $0x0  }
0x3b: {  	[sflag:s20] =	ssyncadd.s32 $0xFFFFC000  }
0x3c: {  	_ =	swait.ge [sflag:s21], $0x4000  }
0x3d: {  	[sflag:s21] =	ssyncset.done $0x0  }
0x3e: {  	[sflag:s21] =	ssyncadd.s32 $0xFFFFC000  }
0x3f: {  	_ =	swait.ge [sflag:s31], $0x4000  }
0x40: {  	s11 =	rddreg [dreg:$0x3];
	[sflag:s31] =	ssyncset.done $0x0  }
0x41: {  	[sflag:s31] =	ssyncadd.s32 $0xFFFFC000;
	s7 =	sadd.s32 $0x0, s11  }
0x42: {  	[hbm4b:s7+s3] =	stream.linear.scatter [tilespmem:s3], [sflag:$0x7], $0x4000, $0x38;
	[tilespmem:$0x19B00] =	vst v63  }
0x43: {  	_ =	swait.ge [sflag:s0], $0x4000  }
0x44: {  	s9 =	rddreg [dreg:$0x4];
	[sflag:s0] =	ssyncset.done $0x0  }
0x45: {  	[sflag:s0] =	ssyncadd.s32 $0xFFFFC000;
	s9 =	sadd.s32 $0x0, s9  }
0x46: {  	[hbm4b:s9+s3] =	stream.linear.scatter [tilespmem:s23], [sflag:$0x7], $0x4000, $0x38;
	[tilespmem:$0x19B00] =	vst v63  }
0x47: {  	_ =	swait.ge [sflag:s0], $0x4000  }
0x48: {  	s10 =	rddreg [dreg:$0x5];
	[sflag:s0] =	ssyncset.done $0x0  }
0x49: {  	[sflag:s0] =	ssyncadd.s32 $0xFFFFC000;
	s10 =	sadd.s32 $0x0, s10  }
0x4a: {  	[hbm4b:s10+s3] =	stream.linear.scatter [tilespmem:s24], [sflag:$0x7], $0x4000, $0x38;
	[tilespmem:$0x19B00] =	vst v63  }
0x4b: {  	_ =	swait.ge [sflag:s0], $0x4000  }
0x4c: {  	[sflag:s0] =	ssyncset.done $0x0  }
0x4d: {  	[sflag:s0] =	ssyncadd.s32 $0xFFFFC000  }
0x4e: {  	_ =	swait.ge [sflag:s25], $0x4000  }
0x4f: {  	[sflag:s25] =	ssyncset.done $0x0  }
0x50: {  	[sflag:s25] =	ssyncadd.s32 $0xFFFFC000  }
0x51: {  	_ =	swait.ge [sflag:s26], $0x4000  }
0x52: {  	[sflag:s26] =	ssyncset.done $0x0  }
0x53: {  	[sflag:s26] =	ssyncadd.s32 $0xFFFFC000  }
0x54: {  	_ =	swait.ge [sflag:s2], $0x4000  }
0x55: {  	[sflag:s2] =	ssyncset.done $0x0  }
0x56: {  	s7 =	sadd.s32 $0x800, s7;
	[sflag:s2] =	ssyncadd.s32 $0xFFFFC000  }
0x57: {  	[hbm4b:s7+s3] =	stream.linear.scatter [tilespmem:s28], [sflag:$0x7], $0x4000, $0x38;
	[tilespmem:$0x19B00] =	vst v63  }
0x58: {  	_ =	swait.ge [sflag:s0], $0x4000  }
0x59: {  	[sflag:s0] =	ssyncset.done $0x0  }
0x5a: {  	s12 =	sadd.s32 $0x800, s9;
	[sflag:s0] =	ssyncadd.s32 $0xFFFFC000  }
0x5b: {  	[hbm4b:s12+s3] =	stream.linear.scatter [tilespmem:s29], [sflag:$0x7], $0x4000, $0x38;
	[tilespmem:$0x19B00] =	vst v63  }
0x5c: {  	_ =	swait.ge [sflag:s0], $0x4000  }
0x5d: {  	[sflag:s0] =	ssyncset.done $0x0  }
0x5e: {  	s13 =	sadd.s32 $0x800, s10;
	[sflag:s0] =	ssyncadd.s32 $0xFFFFC000  }
0x5f: {  	[hbm4b:s13+s3] =	stream.linear.scatter [tilespmem:s30], [sflag:$0x7], $0x4000, $0x38;
	[tilespmem:$0x19B00] =	vst v63  }
0x60: {  	s11 =	simm.s32 $0x1000;
	s9 =	simm.s32 $0x2000;
	_ =	swait.ge [sflag:s0], $0x4000  }
0x61: {  	s7 =	smov.u32 s8;
	s12 =	sadd.s32 $0x20, s6;
	[sflag:s0] =	ssyncset.done $0x0  }
.LBB2_2:
0x62: {  	s6 =	sadd.s32 s12, s14;
	[sflag:s0] =	ssyncadd.s32 $0xFFFFC000;
	s7 =	sadd.s32 $0x20, s7  }
0x63: {  	[tilespmem:s16], [sflag:$0x1] =	stream.linear.gather [hbm4b:s6+s3], $0x80, $0x38;
	[tilespmem:$0x19B00] =	vst v63  }
0x64: {  	s13 =	sadd.s32 s7, s14  }
0x65: {  	[tilespmem:s17], [sflag:$0x2] =	stream.linear.gather [hbm4b:s13+s3], $0x80, $0x38;
	[tilespmem:$0x19B00] =	vst v63  }
0x66: {  	s8 =	sadd.s32 s12, s15  }
0x67: {  	[tilespmem:s18], [sflag:$0x4] =	stream.linear.gather [hbm4b:s8+s3], $0x80, $0x38;
	[tilespmem:$0x19B00] =	vst v63  }
0x68: {  	s13 =	sadd.s32 s7, s15  }
0x69: {  	[tilespmem:s19], [sflag:$0x5] =	stream.linear.gather [hbm4b:s13+s3], $0x80, $0x38;
	[tilespmem:$0x19B00] =	vst v63  }
0x6a: {  	_ =	swait.ge [sflag:s20], $0x80  }
0x6b: {  	[sflag:s20] =	ssyncset.done $0x0  }
0x6c: {  	[sflag:s20] =	ssyncadd.s32 $0xFFFFFF80  }
0x6d: {  	_ =	swait.ge [sflag:s21], $0x80  }
0x6e: {  	[sflag:s21] =	ssyncset.done $0x0  }
0x6f: {  	[sflag:s21] =	ssyncadd.s32 $0xFFFFFF80  }
0x70: {  	[tilespmem:s3], [sflag:$0x1] =	stream.indirect.gather [hbm4b:s1+s22], $0x80, s16, s22, $0xb8;
	[tilespmem:$0x19B00] =	vst v63  }
0x71: {  	_ = 	snop  }
0x72: {  	[tilespmem:s23], [sflag:$0x2] =	stream.indirect.gather [hbm4b:s4+s22], $0x80, s17, s22, $0xb8;
	[tilespmem:$0x19B00] =	vst v63  }
0x73: {  	_ = 	snop  }
0x74: {  	[tilespmem:s24], [sflag:$0x3] =	stream.indirect.gather [hbm4b:s5+s22], $0x80, s17, s22, $0xb8;
	[tilespmem:$0x19B00] =	vst v63  }
0x75: {  	_ =	swait.ge [sflag:s25], $0x80  }
0x76: {  	[sflag:s25] =	ssyncset.done $0x0  }
0x77: {  	[sflag:s25] =	ssyncadd.s32 $0xFFFFFF80  }
0x78: {  	_ =	swait.ge [sflag:s26], $0x80  }
0x79: {  	[sflag:s26] =	ssyncset.done $0x0  }
0x7a: {  	[sflag:s26] =	ssyncadd.s32 $0xFFFFFF80  }
0x7b: {  	[tilespmem:s28], [sflag:$0x4] =	stream.indirect.gather [hbm4b:s1+s22], $0x80, s18, s22, $0xb8;
	[tilespmem:$0x19B00] =	vst v63  }
0x7c: {  	_ = 	snop  }
0x7d: {  	[tilespmem:s29], [sflag:$0x5] =	stream.indirect.gather [hbm4b:s4+s22], $0x80, s19, s22, $0xb8;
	[tilespmem:$0x19B00] =	vst v63  }
0x7e: {  	_ = 	snop  }
0x7f: {  	[tilespmem:s30], [sflag:$0x6] =	stream.indirect.gather [hbm4b:s5+s22], $0x80, s19, s22, $0xb8;
	[tilespmem:$0x19B00] =	vst v63  }
0x80: {  	_ =	swait.ge [sflag:s20], $0x4000  }
0x81: {  	[sflag:s20] =	ssyncset.done $0x0  }
0x82: {  	[sflag:s20] =	ssyncadd.s32 $0xFFFFC000  }
0x83: {  	_ =	swait.ge [sflag:s21], $0x4000  }
0x84: {  	[sflag:s21] =	ssyncset.done $0x0  }
0x85: {  	[sflag:s21] =	ssyncadd.s32 $0xFFFFC000  }
0x86: {  	_ =	swait.ge [sflag:s31], $0x4000  }
0x87: {  	s8 =	rddreg [dreg:$0x3];
	[sflag:s31] =	ssyncset.done $0x0  }
0x88: {  	[sflag:s31] =	ssyncadd.s32 $0xFFFFC000;
	s6 =	sadd.s32 s11, s8  }
0x89: {  	[hbm4b:s6+s3] =	stream.linear.scatter [tilespmem:s3], [sflag:$0x7], $0x4000, $0x38;
	[tilespmem:$0x19B00] =	vst v63  }
0x8a: {  	_ =	swait.ge [sflag:s0], $0x4000  }
0x8b: {  	s13 =	rddreg [dreg:$0x4];
	[sflag:s0] =	ssyncset.done $0x0  }
0x8c: {  	[sflag:s0] =	ssyncadd.s32 $0xFFFFC000;
	s13 =	sadd.s32 s11, s13  }
0x8d: {  	[hbm4b:s13+s3] =	stream.linear.scatter [tilespmem:s23], [sflag:$0x7], $0x4000, $0x38;
	[tilespmem:$0x19B00] =	vst v63  }
0x8e: {  	_ =	swait.ge [sflag:s0], $0x4000  }
0x8f: {  	s8 =	rddreg [dreg:$0x5];
	[sflag:s0] =	ssyncset.done $0x0  }
0x90: {  	[sflag:s0] =	ssyncadd.s32 $0xFFFFC000;
	s8 =	sadd.s32 s11, s8  }
0x91: {  	[hbm4b:s8+s3] =	stream.linear.scatter [tilespmem:s24], [sflag:$0x7], $0x4000, $0x38;
	[tilespmem:$0x19B00] =	vst v63  }
0x92: {  	_ =	swait.ge [sflag:s0], $0x4000  }
0x93: {  	[sflag:s0] =	ssyncset.done $0x0  }
0x94: {  	[sflag:s0] =	ssyncadd.s32 $0xFFFFC000  }
0x95: {  	_ =	swait.ge [sflag:s25], $0x4000  }
0x96: {  	[sflag:s25] =	ssyncset.done $0x0  }
0x97: {  	[sflag:s25] =	ssyncadd.s32 $0xFFFFC000  }
0x98: {  	_ =	swait.ge [sflag:s26], $0x4000  }
0x99: {  	[sflag:s26] =	ssyncset.done $0x0  }
0x9a: {  	[sflag:s26] =	ssyncadd.s32 $0xFFFFC000  }
0x9b: {  	_ =	swait.ge [sflag:s2], $0x4000  }
0x9c: {  	[sflag:s2] =	ssyncset.done $0x0  }
0x9d: {  	s6 =	sadd.s32 $0x800, s6;
	[sflag:s2] =	ssyncadd.s32 $0xFFFFC000  }
0x9e: {  	[hbm4b:s6+s3] =	stream.linear.scatter [tilespmem:s28], [sflag:$0x7], $0x4000, $0x38;
	[tilespmem:$0x19B00] =	vst v63  }
0x9f: {  	_ =	swait.ge [sflag:s0], $0x4000  }
0xa0: {  	s10 =	smov.u32 s9;
	[sflag:s0] =	ssyncset.done $0x0  }
0xa1: {  	s11 =	smov.u32 s10;
	s10 =	sadd.s32 $0x800, s13;
	[sflag:s0] =	ssyncadd.s32 $0xFFFFC000  }
0xa2: {  	[hbm4b:s10+s3] =	stream.linear.scatter [tilespmem:s29], [sflag:$0x7], $0x4000, $0x38;
	[tilespmem:$0x19B00] =	vst v63  }
0xa3: {  	p0 =	sne.s32 s9, $0x26000;
	_ =	swait.ge [sflag:s0], $0x4000  }
.Ltmp0:
0xa4: {  	[sflag:s0] =	ssyncset.done $0x0;
	(pc) =	sbr.rel @p0 .LBB2_2-.Ltmp0, $4  }
0xa5: {  	s13 =	sadd.s32 $0x800, s8;
	[sflag:s0] =	ssyncadd.s32 $0xFFFFC000  }
0xa6: {  	[hbm4b:s13+s3] =	stream.linear.scatter [tilespmem:s30], [sflag:$0x7], $0x4000, $0x38;
	[tilespmem:$0x19B00] =	vst v63  }
0xa7: {  	_ =	swait.ge [sflag:s0], $0x4000  }
0xa8: {  	s9 =	sadd.s32 $0x1000, s9;
	s12 =	sadd.s32 $0x20, s12;
	[sflag:s0] =	ssyncset.done $0x0  }
0xa9: {  	s6 =	sadd.s32 s12, s14;
	[sflag:s0] =	ssyncadd.s32 $0xFFFFC000;
	s7 =	sadd.s32 $0x20, s7  }
0xaa: {  	[tilespmem:s16], [sflag:$0x1] =	stream.linear.gather [hbm4b:s6+s3], $0x80, $0x38;
	[tilespmem:$0x19B00] =	vst v63  }
0xab: {  	s10 =	sadd.s32 s7, s14  }
0xac: {  	[tilespmem:s17], [sflag:$0x2] =	stream.linear.gather [hbm4b:s10+s3], $0x80, $0x38;
	[tilespmem:$0x19B00] =	vst v63  }
0xad: {  	s13 =	sadd.s32 s12, s15  }
0xae: {  	[tilespmem:s18], [sflag:$0x4] =	stream.linear.gather [hbm4b:s13+s3], $0x80, $0x38;
	[tilespmem:$0x19B00] =	vst v63  }
0xaf: {  	s8 =	sadd.s32 s7, s15  }
0xb0: {  	[tilespmem:s19], [sflag:$0x5] =	stream.linear.gather [hbm4b:s8+s3], $0x80, $0x38;
	[tilespmem:$0x19B00] =	vst v63  }
0xb1: {  	_ =	swait.ge [sflag:s20], $0x80  }
0xb2: {  	[sflag:s20] =	ssyncset.done $0x0  }
0xb3: {  	[sflag:s20] =	ssyncadd.s32 $0xFFFFFF80  }
0xb4: {  	_ =	swait.ge [sflag:s21], $0x80  }
0xb5: {  	[sflag:s21] =	ssyncset.done $0x0  }
0xb6: {  	[sflag:s21] =	ssyncadd.s32 $0xFFFFFF80  }
0xb7: {  	[tilespmem:s3], [sflag:$0x1] =	stream.indirect.gather [hbm4b:s1+s22], $0x80, s16, s22, $0xb8;
	[tilespmem:$0x19B00] =	vst v63  }
0xb8: {  	_ = 	snop  }
0xb9: {  	[tilespmem:s23], [sflag:$0x2] =	stream.indirect.gather [hbm4b:s4+s22], $0x80, s17, s22, $0xb8;
	[tilespmem:$0x19B00] =	vst v63  }
0xba: {  	_ = 	snop  }
0xbb: {  	[tilespmem:s24], [sflag:$0x3] =	stream.indirect.gather [hbm4b:s5+s22], $0x80, s17, s22, $0xb8;
	[tilespmem:$0x19B00] =	vst v63  }
0xbc: {  	_ =	swait.ge [sflag:s25], $0x80  }
0xbd: {  	[sflag:s25] =	ssyncset.done $0x0  }
0xbe: {  	[sflag:s25] =	ssyncadd.s32 $0xFFFFFF80  }
0xbf: {  	_ =	swait.ge [sflag:s26], $0x80  }
0xc0: {  	[sflag:s26] =	ssyncset.done $0x0  }
0xc1: {  	[sflag:s26] =	ssyncadd.s32 $0xFFFFFF80  }
0xc2: {  	[tilespmem:s28], [sflag:$0x4] =	stream.indirect.gather [hbm4b:s1+s22], $0x80, s18, s22, $0xb8;
	[tilespmem:$0x19B00] =	vst v63  }
0xc3: {  	_ = 	snop  }
0xc4: {  	[tilespmem:s29], [sflag:$0x5] =	stream.indirect.gather [hbm4b:s4+s22], $0x80, s19, s22, $0xb8;
	[tilespmem:$0x19B00] =	vst v63  }
0xc5: {  	_ = 	snop  }
0xc6: {  	[tilespmem:s30], [sflag:$0x6] =	stream.indirect.gather [hbm4b:s5+s22], $0x80, s19, s22, $0xb8;
	[tilespmem:$0x19B00] =	vst v63  }
0xc7: {  	_ =	swait.ge [sflag:s20], $0x4000  }
0xc8: {  	[sflag:s20] =	ssyncset.done $0x0  }
0xc9: {  	[sflag:s20] =	ssyncadd.s32 $0xFFFFC000  }
0xca: {  	_ =	swait.ge [sflag:s21], $0x4000  }
0xcb: {  	[sflag:s21] =	ssyncset.done $0x0  }
0xcc: {  	[sflag:s21] =	ssyncadd.s32 $0xFFFFC000  }
0xcd: {  	_ =	swait.ge [sflag:s31], $0x4000  }
0xce: {  	s9 =	rddreg [dreg:$0x3];
	[sflag:s31] =	ssyncset.done $0x0  }
0xcf: {  	[sflag:s31] =	ssyncadd.s32 $0xFFFFC000;
	s6 =	sadd.s32 s11, s9  }
0xd0: {  	[hbm4b:s6+s3] =	stream.linear.scatter [tilespmem:s3], [sflag:$0x7], $0x4000, $0x38;
	[tilespmem:$0x19B00] =	vst v63  }
0xd1: {  	_ =	swait.ge [sflag:s0], $0x4000  }
0xd2: {  	s10 =	rddreg [dreg:$0x4];
	[sflag:s0] =	ssyncset.done $0x0  }
0xd3: {  	[sflag:s0] =	ssyncadd.s32 $0xFFFFC000;
	s7 =	sadd.s32 s11, s10  }
0xd4: {  	[hbm4b:s7+s3] =	stream.linear.scatter [tilespmem:s23], [sflag:$0x7], $0x4000, $0x38;
	[tilespmem:$0x19B00] =	vst v63  }
0xd5: {  	_ =	swait.ge [sflag:s0], $0x4000  }
0xd6: {  	s8 =	rddreg [dreg:$0x5];
	[sflag:s0] =	ssyncset.done $0x0  }
0xd7: {  	s8 =	sadd.s32 s11, s8;
	[sflag:s0] =	ssyncadd.s32 $0xFFFFC000  }
0xd8: {  	[hbm4b:s8+s3] =	stream.linear.scatter [tilespmem:s24], [sflag:$0x7], $0x4000, $0x38;
	[tilespmem:$0x19B00] =	vst v63  }
0xd9: {  	_ =	swait.ge [sflag:s0], $0x4000  }
0xda: {  	[sflag:s0] =	ssyncset.done $0x0  }
0xdb: {  	[sflag:s0] =	ssyncadd.s32 $0xFFFFC000  }
0xdc: {  	_ =	swait.ge [sflag:s25], $0x4000  }
0xdd: {  	[sflag:s25] =	ssyncset.done $0x0  }
0xde: {  	[sflag:s25] =	ssyncadd.s32 $0xFFFFC000  }
0xdf: {  	_ =	swait.ge [sflag:s26], $0x4000  }
0xe0: {  	[sflag:s26] =	ssyncset.done $0x0  }
0xe1: {  	[sflag:s26] =	ssyncadd.s32 $0xFFFFC000  }
0xe2: {  	_ =	swait.ge [sflag:s2], $0x4000  }
0xe3: {  	[sflag:s2] =	ssyncset.done $0x0  }
0xe4: {  	s6 =	sadd.s32 $0x800, s6;
	[sflag:s2] =	ssyncadd.s32 $0xFFFFC000  }
0xe5: {  	[hbm4b:s6+s3] =	stream.linear.scatter [tilespmem:s28], [sflag:$0x7], $0x4000, $0x38;
	[tilespmem:$0x19B00] =	vst v63  }
0xe6: {  	_ =	swait.ge [sflag:s0], $0x4000  }
0xe7: {  	[sflag:s0] =	ssyncset.done $0x0  }
0xe8: {  	s12 =	sadd.s32 $0x800, s7;
	[sflag:s0] =	ssyncadd.s32 $0xFFFFC000  }
0xe9: {  	[hbm4b:s12+s3] =	stream.linear.scatter [tilespmem:s29], [sflag:$0x7], $0x4000, $0x38;
	[tilespmem:$0x19B00] =	vst v63  }
0xea: {  	_ =	swait.ge [sflag:s0], $0x4000  }
0xeb: {  	[sflag:s0] =	ssyncset.done $0x0  }
0xec: {  	s13 =	sadd.s32 $0x800, s8;
	[sflag:s0] =	ssyncadd.s32 $0xFFFFC000  }
0xed: {  	[hbm4b:s13+s3] =	stream.linear.scatter [tilespmem:s30], [sflag:$0x7], $0x4000, $0x38;
	[tilespmem:$0x19B00] =	vst v63  }
0xee: {  	_ =	swait.ge [sflag:s0], $0x4000  }
0xef: {  	[sflag:s0] =	ssyncset.done $0x0  }
0xf0: {  	s8 =	simm.s32 $0x19A00;
	s7 =	rddreg [dreg:$0x8];
	[sflag:s0] =	ssyncadd.s32 $0xFFFFC000  }
0xf1: {  	[tilespmem:s8], [sflag:$0x1] =	stream.linear.gather [hbm4b:s7+s3], $0x10, $0x38;
	[tilespmem:$0x19B00] =	vst v63  }
0xf2: {  	s11 =	simm.s32 $0x19A80;
	s10 =	rddreg [dreg:$0x9]  }
0xf3: {  	[tilespmem:s11], [sflag:$0x2] =	stream.linear.gather [hbm4b:s10+s3], $0x10, $0x38;
	[tilespmem:$0x19B00] =	vst v63  }
0xf4: {  	_ =	swait.ge [sflag:s20], $0x10  }
0xf5: {  	[sflag:s20] =	ssyncset.done $0x0  }
0xf6: {  	[sflag:s20] =	ssyncadd.s32 $0xFFFFFFF0  }
0xf7: {  	_ =	swait.ge [sflag:s21], $0x10  }
0xf8: {  	[sflag:s21] =	ssyncset.done $0x0  }
0xf9: {  	s9 =	simm.s32 $0x18200;
	s12 =	simm.s32 $0x10;
	[sflag:s21] =	ssyncadd.s32 $0xFFFFFFF0  }
0xfa: {  	[tilespmem:s9], [sflag:$0x1] =	stream.indirect.gather [hbm4b:s1+s12], $0x80, s8, s12, $0xb8;
	[tilespmem:$0x19B00] =	vst v63  }
0xfb: {  	s13 =	simm.s32 $0x18A00  }
0xfc: {  	[tilespmem:s13], [sflag:$0x2] =	stream.indirect.gather [hbm4b:s4+s12], $0x80, s11, s12, $0xb8;
	[tilespmem:$0x19B00] =	vst v63  }
0xfd: {  	s10 =	simm.s32 $0x19200  }
0xfe: {  	[tilespmem:s10], [sflag:$0x3] =	stream.indirect.gather [hbm4b:s5+s12], $0x80, s11, s12, $0xb8;
	[tilespmem:$0x19B00] =	vst v63  }
0xff: {  	_ =	swait.ge [sflag:s20], $0x800  }
0x100: {  	[sflag:s20] =	ssyncset.done $0x0  }
0x101: {  	[sflag:s20] =	ssyncadd.s32 $0xFFFFF800  }
0x102: {  	_ =	swait.ge [sflag:s21], $0x800  }
0x103: {  	[sflag:s21] =	ssyncset.done $0x0  }
0x104: {  	[sflag:s21] =	ssyncadd.s32 $0xFFFFF800  }
0x105: {  	_ =	swait.ge [sflag:s31], $0x800  }
0x106: {  	[sflag:s31] =	ssyncset.done $0x0  }
0x107: {  	s8 =	rddreg [dreg:$0xa];
	[sflag:s31] =	ssyncadd.s32 $0xFFFFF800  }
0x108: {  	[hbm4b:s8+s3] =	stream.linear.scatter [tilespmem:s9], [sflag:$0x7], $0x800, $0x38;
	[tilespmem:$0x19B00] =	vst v63  }
0x109: {  	_ =	swait.ge [sflag:s0], $0x800  }
0x10a: {  	[sflag:s0] =	ssyncset.done $0x0  }
0x10b: {  	s9 =	rddreg [dreg:$0xb];
	[sflag:s0] =	ssyncadd.s32 $0xFFFFF800  }
0x10c: {  	[hbm4b:s9+s3] =	stream.linear.scatter [tilespmem:s13], [sflag:$0x7], $0x800, $0x38;
	[tilespmem:$0x19B00] =	vst v63  }
0x10d: {  	_ =	swait.ge [sflag:s0], $0x800  }
0x10e: {  	[sflag:s0] =	ssyncset.done $0x0  }
0x10f: {  	s11 =	rddreg [dreg:$0xc];
	[sflag:s0] =	ssyncadd.s32 $0xFFFFF800  }
0x110: {  	[hbm4b:s11+s3] =	stream.linear.scatter [tilespmem:s10], [sflag:$0x7], $0x800, $0x38;
	[tilespmem:$0x19B00] =	vst v63  }
0x111: {  	_ =	swait.ge [sflag:s0], $0x800  }
0x112: {  	s12 =	rddreg [dreg:$0xe]  }
0x113: {  	s13 =	rddreg [dreg:$0xd];
	s7 =	sadd.s32 $0x1, s12  }
0x114: {  	p0 =	sne.s32 s7, s13  }
.Ltmp1:
0x115: {  	_ = 	snop;
	(pc) =	sbr.rel @p0 .LBB2_1-.Ltmp1, $3  }
0x116: {  	_ =	sdelay $0x1  }
0x117: {  	[sflag:s0] =	ssyncset.done $0x0  }
0x118: {  	[sflag:s0] =	ssyncadd.s32 $0xFFFFF800  }
0x119: {  	_ =	sfence.sel $0x180000  }
0x11a: {  	[bflag:$0x0] =	sbarrier.arrive $0xFFFF  }
0x11b: {  	_ =	strace $0x90000047  }
0x11c: {  	s0 =	stileid.u32;
	[bflag:$0x2] =	sbarrier.arrive $0xFFFF  }
0x11d: {  	p0 =	sne.s32 s0, $0x0;
	s0 =	rddreg [dreg:$0x2]  }
0x11e: {  	s0 =	sadd.s32 @!p0 $0x100000, s0  }
0x11f: {  	[sflag:s0] =	ssyncadd.tile.s32 @!p0 $0x1;
	_ =	shalt  }
.Lfunc_end2:
_tile_overlayer_lowered:
.L_overlay_start_2:
0x120: {  	(tag) =	ssettag $0x2  }
0x121: {  	s0 =	rddreg [dreg:$0x0];
	s2 =	stileid.u32  }
0x122: {  	s1 =	rddreg [dreg:$0x1];
	p0 =	sne.s32 s2, $0x0  }
0x123: {  	s3 =	rddreg [dreg:$0x2];
	[bflag:$0x3] =	sbarrier.arrive $0xFFFF;
	s2 =	simm.s32 @!p0 $0x1C07  }
0x124: {  	[timem:s3], [sflag:s2] =	dma.local @!p0 [hbm:s0], s1  }
0x125: {  	s0 =	simm.s32 @!p0 $0x7  }
0x126: {  	_ =	swait.ge @!p0 [sflag:s0], s1  }
0x127: {  	s1 =	ssub.s32 @!p0 $0x0, s1;
	[sflag:s0] =	ssyncset.done @!p0 $0x0  }
0x128: {  	[sflag:s0] =	ssyncadd.s32 @!p0 s1  }
0x129: {  	[bflag:$0x3] =	sbarrier.arrive $0xFFFF  }
0x12a: {  	_ =	shalt  }

</sc_bundles>
